<compile_context>
chip_gen: v7x
topology: tpu7x:2x2x1
jax: 0.10.2.dev20260603
libtpu: 0.0.44.dev20260713+nightly
codegen_flags: <defaults>
</compile_context>

<pallas_src>
import functools

import jax
import jax.numpy as jnp
import numpy as np
from jax.experimental import pallas as pl
from jax.experimental.pallas import tpu as pltpu

_N_BASIS = 7
_N_RADIAL = 5
_R_MIN = 0.5
_R_MAX = 6.0
_MOM = 40
_MOMP = 256
_E_BLK = 6400
_A_BLK = 1000


def _edge_kernel(idx_ref, dr_ref, cf_ref, out_ref, scr_ref, acc_ref):
    pid = pl.program_id(0)
    n_atoms = out_ref.shape[0]

    @pl.when(pid == 0)
    def _():
        acc_ref[...] = jnp.zeros(acc_ref.shape, acc_ref.dtype)

    drx = dr_ref[0:1, :]
    dry = dr_ref[1:2, :]
    drz = dr_ref[2:3, :]
    dr2 = drx * drx + dry * dry + drz * drz
    dist = jnp.sqrt(dr2 + 1e-12)
    inv = 1.0 / dist
    ex = drx * inv
    ey = dry * inv
    ez = drz * inv

    betta = float(_N_BASIS) ** 2 / _R_MAX ** 2
    rad_norm = (2.0 * betta / np.pi) ** 0.25
    shifts = [_R_MIN + (_R_MAX - _R_MIN) / _N_BASIS * k for k in range(_N_BASIS)]
    cutoff = jnp.where(dist < _R_MAX,
                       0.5 * (jnp.cos(np.pi / _R_MAX * dist) + 1.0), 0.0)
    basis = [rad_norm * jnp.exp(-betta * (dist - s) ** 2) for s in shifts]

    radial = []
    for r in range(_N_RADIAL):
        acc = cf_ref[r * _N_BASIS:r * _N_BASIS + 1, :] * basis[0]
        for k in range(1, _N_BASIS):
            acc = acc + cf_ref[r * _N_BASIS + k:r * _N_BASIS + k + 1, :] * basis[k]
        radial.append(acc * cutoff)

    e = [ex, ey, ez]
    t = [jnp.ones_like(ex)] + e
    for i in range(3):
        for j in range(3):
            t.append(e[i] * e[j])
    for i in range(3):
        for j in range(3):
            for k in range(3):
                t.append(t[4 + 3 * i + j] * e[k])

    rows = []
    for r in range(_N_RADIAL):
        for c in range(_MOM):
            rows.append(radial[r] * t[c])
    pad = jnp.zeros((_MOMP - _N_RADIAL * _MOM, drx.shape[1]), dtype=jnp.float32)
    contrib = jnp.concatenate(rows + [pad], axis=0)
    scr_ref[...] = contrib.T

    def body(b, carry):
        a0 = idx_ref[0, 0, 2 * b]
        a1 = idx_ref[0, 0, 2 * b + 1] + n_atoms
        acc_ref[pl.ds(a0, 1), :] = (acc_ref[pl.ds(a0, 1), :]
                                    + scr_ref[pl.ds(2 * b, 1), :])
        acc_ref[pl.ds(a1, 1), :] = (acc_ref[pl.ds(a1, 1), :]
                                    + scr_ref[pl.ds(2 * b + 1, 1), :])
        return carry

    jax.lax.fori_loop(0, dr_ref.shape[1] // 2, body, 0, unroll=8)

    @pl.when(pid == pl.num_programs(0) - 1)
    def _():
        out_ref[...] = acc_ref[0:n_atoms, :] + acc_ref[n_atoms:2 * n_atoms, :]


def _mlp_kernel(g_ref, w0_ref, b0_ref, w1_ref, b1_ref, w2_ref, b2_ref, o_ref,
                *, inv0, inv1):
    h = jnp.dot(g_ref[...], w0_ref[...],
                preferred_element_type=jnp.float32) * inv0 + 0.1 * b0_ref[...]
    h = h * jax.nn.sigmoid(h)
    h = jnp.dot(h, w1_ref[...],
                preferred_element_type=jnp.float32) * inv1 + 0.1 * b1_ref[...]
    h = h * jax.nn.sigmoid(h)
    o_ref[...] = jnp.dot(h, w2_ref[...],
                         preferred_element_type=jnp.float32) * inv1 + 0.1 * b2_ref[...]


def _tril2(n):
    i, j = np.tril_indices(n)
    return jnp.asarray(i), jnp.asarray(j)


def _tril3(n):
    idx = [(i, j, k) for i in range(n) for j in range(i + 1) for k in range(j + 1)]
    a = np.array(idx, dtype=np.int32)
    return jnp.asarray(a[:, 0]), jnp.asarray(a[:, 1]), jnp.asarray(a[:, 2])


@jax.jit
def kernel(R, Z, neighbor_idx, radial_emb, W0, b0, W1, b1, W2, b2, scale, shift):
    n_atoms = R.shape[0]
    n_edges = neighbor_idx.shape[1]
    idx_i = neighbor_idx[0]
    idx_j = neighbor_idx[1]

    dr = (R[idx_i] - R[idx_j]).T
    drp = jnp.concatenate(
        [dr, jnp.zeros((5, n_edges), dtype=jnp.float32)], axis=0)
    coeffs = radial_emb[Z[idx_i], Z[idx_j]].reshape(n_edges, -1).T
    cfp = jnp.concatenate(
        [coeffs, jnp.zeros((5, n_edges), dtype=jnp.float32)], axis=0)

    e_blk = _E_BLK if n_edges % _E_BLK == 0 else n_edges
    nblk = n_edges // e_blk
    idx3d = idx_i.astype(jnp.int32).reshape(nblk, 1, e_blk)

    mom = pl.pallas_call(
        _edge_kernel,
        grid=(nblk,),
        in_specs=[
            pl.BlockSpec((1, 1, e_blk), lambda i: (i, 0, 0),
                         memory_space=pltpu.SMEM),
            pl.BlockSpec((8, e_blk), lambda i: (0, i)),
            pl.BlockSpec((40, e_blk), lambda i: (0, i)),
        ],
        out_specs=pl.BlockSpec((n_atoms, _MOMP), lambda i: (0, 0)),
        out_shape=jax.ShapeDtypeStruct((n_atoms, _MOMP), jnp.float32),
        scratch_shapes=[pltpu.VMEM((e_blk, _MOMP), jnp.float32),
                        pltpu.VMEM((2 * n_atoms, _MOMP), jnp.float32)],
    )(idx3d, drp, cfp)

    m = mom[:, :_N_RADIAL * _MOM].reshape(n_atoms, _N_RADIAL, _MOM)
    m0 = m[:, :, 0]
    m1 = m[:, :, 1:4]
    m2 = m[:, :, 4:13].reshape(n_atoms, _N_RADIAL, 3, 3)
    m3 = m[:, :, 13:40].reshape(n_atoms, _N_RADIAL, 3, 3, 3)

    contr_1 = jnp.einsum('ari,asi->ars', m1, m1)
    contr_2 = jnp.einsum('arij,asij->ars', m2, m2)
    contr_3 = jnp.einsum('arijk,asijk->ars', m3, m3)
    contr_4 = jnp.einsum('arij,asik,atjk->arst', m2, m2, m2)
    contr_5 = jnp.einsum('ari,asj,atij->arst', m1, m1, m2)
    contr_6 = jnp.einsum('arijk,asijl,atkl->arst', m3, m3, m2)
    contr_7 = jnp.einsum('arijk,asij,atk->arst', m3, m2, m1)
    i2, j2 = _tril2(_N_RADIAL)
    i3, j3, k3 = _tril3(_N_RADIAL)
    n = _N_RADIAL
    n2 = i2.shape[0]
    gm = jnp.concatenate([
        m0,
        contr_1[:, i2, j2],
        contr_2[:, i2, j2],
        contr_3[:, i2, j2],
        contr_4[:, i3, j3, k3],
        contr_5[:, i2, j2, :].reshape(-1, n2 * n),
        contr_6[:, i2, j2, :].reshape(-1, n2 * n),
        contr_7.reshape(-1, n * n * n),
    ], axis=-1)

    feat = gm.shape[-1]
    featp = 384
    gmp = jnp.concatenate(
        [gm, jnp.zeros((n_atoms, featp - feat), dtype=jnp.float32)], axis=1)
    w0p = jnp.concatenate(
        [W0, jnp.zeros((featp - feat, W0.shape[1]), dtype=jnp.float32)], axis=0)
    w2p = jnp.concatenate(
        [W2, jnp.zeros((W2.shape[0], 127), dtype=jnp.float32)], axis=1)
    b2p = jnp.concatenate([b2, jnp.zeros((127,), dtype=jnp.float32)])

    a_blk = _A_BLK if n_atoms % _A_BLK == 0 else n_atoms
    grid_b = n_atoms // a_blk
    hid = W0.shape[1]
    mlp = functools.partial(_mlp_kernel,
                            inv0=1.0 / np.sqrt(float(feat)),
                            inv1=1.0 / np.sqrt(float(hid)))
    h = pl.pallas_call(
        mlp,
        grid=(grid_b,),
        in_specs=[
            pl.BlockSpec((a_blk, featp), lambda i: (i, 0)),
            pl.BlockSpec((featp, hid), lambda i: (0, 0)),
            pl.BlockSpec((1, hid), lambda i: (0, 0)),
            pl.BlockSpec((hid, hid), lambda i: (0, 0)),
            pl.BlockSpec((1, hid), lambda i: (0, 0)),
            pl.BlockSpec((hid, 128), lambda i: (0, 0)),
            pl.BlockSpec((1, 128), lambda i: (0, 0)),
        ],
        out_specs=pl.BlockSpec((a_blk, 128), lambda i: (i, 0)),
        out_shape=jax.ShapeDtypeStruct((n_atoms, 128), jnp.float32),
    )(gmp, w0p, b0.reshape(1, hid), W1, b1.reshape(1, hid), w2p,
      b2p.reshape(1, 128))

    out = h[:, :1]
    out = scale[Z] * out + shift[Z]
    return jnp.where((Z > 0)[:, None], out, 0.0)

# --- scband reference (transcript-rebuilt; emitter-appended) ---
"""Pipeline reference for scband-gmnn-18141941858861 (READ-ONLY COPY).

The authoritative reference and input builder live on the scoring server;
editing this copy changes nothing except your own understanding.
"""

import jax, jax.numpy as jnp
import numpy as np

N_ATOMS = 10000
N_EDGES = 320000
N_BASIS = 7
N_RADIAL = 5
N_SPECIES = 119
R_MIN = 0.5
R_MAX = 6.0
FEAT_DIM = 360


def _tril2(n):
    i, j = np.tril_indices(n)
    return jnp.asarray(i), jnp.asarray(j)


def _tril3(n):
    idx = [(i, j, k) for i in range(n) for j in range(i + 1) for k in range(j + 1)]
    a = np.array(idx, dtype=np.int32)
    return jnp.asarray(a[:, 0]), jnp.asarray(a[:, 1]), jnp.asarray(a[:, 2])


def setup_inputs(seed: int = 0) -> dict:
    key = jax.random.key(seed)
    ks = jax.random.split(key, 12)
    R = jax.random.uniform(ks[0], (N_ATOMS, 3), dtype=jnp.float32) * 30.0
    Z = jax.random.randint(ks[1], (N_ATOMS,), 0, N_SPECIES)
    neighbor_idx = jax.random.randint(ks[2], (2, N_EDGES), 0, N_ATOMS)
    radial_emb = jax.random.normal(ks[3], (N_SPECIES, N_SPECIES, N_RADIAL, N_BASIS), dtype=jnp.float32) / np.sqrt(N_BASIS)
    W0 = jax.random.normal(ks[4], (FEAT_DIM, 512), dtype=jnp.float32)
    b0 = jax.random.normal(ks[5], (512,), dtype=jnp.float32)
    W1 = jax.random.normal(ks[6], (512, 512), dtype=jnp.float32)
    b1 = jax.random.normal(ks[7], (512,), dtype=jnp.float32)
    W2 = jax.random.normal(ks[8], (512, 1), dtype=jnp.float32)
    b2 = jax.random.normal(ks[9], (1,), dtype=jnp.float32)
    scale = jnp.ones((N_SPECIES, 1), dtype=jnp.float32)
    shift = jnp.zeros((N_SPECIES, 1), dtype=jnp.float32)
    return {"R": R, "Z": Z, "neighbor_idx": neighbor_idx, "radial_emb": radial_emb,
            "W0": W0, "b0": b0, "W1": W1, "b1": b1, "W2": W2, "b2": b2,
            "scale": scale, "shift": shift}


def _descriptor(R, Z, neighbor_idx, radial_emb):
    idx_i = neighbor_idx[0]
    idx_j = neighbor_idx[1]
    # free-space displacement
    dr_vec = R[idx_i] - R[idx_j]
    dr2 = jnp.sum(dr_vec * dr_vec, axis=-1)
    dist = jnp.sqrt(dr2 + 1e-12)
    e = dr_vec / dist[:, None]
    betta = float(N_BASIS) ** 2 / R_MAX ** 2
    rad_norm = (2.0 * betta / np.pi) ** 0.25
    shifts = jnp.asarray(R_MIN + (R_MAX - R_MIN) / N_BASIS * np.arange(N_BASIS), dtype=jnp.float32)
    basis = rad_norm * jnp.exp(-betta * (dist[:, None] - shifts) ** 2)
    coeffs = radial_emb[Z[idx_i], Z[idx_j]]
    cutoff = jnp.where(dist < R_MAX, 0.5 * (jnp.cos(np.pi * dist / R_MAX) + 1.0), 0.0)
    radial = jnp.einsum('prb,pb->pr', coeffs, basis) * cutoff[:, None]
    m0 = jax.ops.segment_sum(radial, idx_i, num_segments=N_ATOMS)
    m1 = jax.ops.segment_sum(radial[:, :, None] * e[:, None, :], idx_i, num_segments=N_ATOMS)
    ee = e[:, :, None] * e[:, None, :]
    m2 = jax.ops.segment_sum(radial[:, :, None, None] * ee[:, None, :, :], idx_i, num_segments=N_ATOMS)
    eee = ee[:, :, :, None] * e[:, None, None, :]
    m3 = jax.ops.segment_sum(radial[:, :, None, None, None] * eee[:, None, :, :, :], idx_i, num_segments=N_ATOMS)
    contr_0 = m0
    contr_1 = jnp.einsum('ari,asi->ars', m1, m1)
    contr_2 = jnp.einsum('arij,asij->ars', m2, m2)
    contr_3 = jnp.einsum('arijk,asijk->ars', m3, m3)
    contr_4 = jnp.einsum('arij,asik,atjk->arst', m2, m2, m2)
    contr_5 = jnp.einsum('ari,asj,atij->arst', m1, m1, m2)
    contr_6 = jnp.einsum('arijk,asijl,atkl->arst', m3, m3, m2)
    contr_7 = jnp.einsum('arijk,asij,atk->arst', m3, m2, m1)
    i2, j2 = _tril2(N_RADIAL)
    i3, j3, k3 = _tril3(N_RADIAL)
    n = N_RADIAL
    n2 = i2.shape[0]
    gm = jnp.concatenate([
        contr_0,
        contr_1[:, i2, j2],
        contr_2[:, i2, j2],
        contr_3[:, i2, j2],
        contr_4[:, i3, j3, k3],
        contr_5[:, i2, j2, :].reshape(-1, n2 * n),
        contr_6[:, i2, j2, :].reshape(-1, n2 * n),
        contr_7.reshape(-1, n * n * n),
    ], axis=-1)
    return gm


def _swish(x):
    return x * jax.nn.sigmoid(x)


def _readout(gm, W0, b0, W1, b1, W2, b2):
    h = gm @ W0 / np.sqrt(float(gm.shape[-1])) + 0.1 * b0
    h = _swish(h)
    h = h @ W1 / np.sqrt(512.0) + 0.1 * b1
    h = _swish(h)
    h = h @ W2 / np.sqrt(512.0) + 0.1 * b2
    return h


def reference(R, Z, neighbor_idx, radial_emb, W0, b0, W1, b1, W2, b2, scale, shift):
    gm = _descriptor(R, Z, neighbor_idx, radial_emb)
    h = _readout(gm, W0, b0, W1, b1, W2, b2)
    out = scale[Z] * h + shift[Z]
    out = jnp.where((Z > 0)[:, None], out, 0.0)
    return out

if __name__ == "__main__":
    import jax
    _d = setup_inputs()
    print(jax.jit(kernel)(*tuple(_d.values())))

</pallas_src>

<mosaic_0001>
module attributes {stable_mosaic.version = 14 : i64} {
  func.func @_edge_kernel(%arg0: i32, %arg1: memref<1x1x6400xi32, #tpu.memory_space<smem>>, %arg2: memref<8x6400xf32, #tpu.memory_space<vmem>>, %arg3: memref<40x6400xf32, #tpu.memory_space<vmem>>, %arg4: memref<10000x256xf32, #tpu.memory_space<vmem>>, %arg5: memref<6400x256xf32, #tpu.memory_space<vmem>>, %arg6: memref<20000x256xf32, #tpu.memory_space<vmem>>) attributes {dimension_semantics = [#tpu.dimension_semantics<arbitrary>], iteration_bounds = array<i64: 50>, scalar_prefetch = 0 : i64, scratch_operands = 2 : i64, tpu.core_type = #tpu.core_type<tc>, window_params = [{transform_indices = @transform_0, window_bounds = array<i64: 1, 1, 6400>}, {transform_indices = @transform_1, window_bounds = array<i64: 8, 6400>}, {transform_indices = @transform_2, window_bounds = array<i64: 40, 6400>}, {pipeline_mode = #tpu.pipeline_mode<synchronous>, transform_indices = @transform_3, window_bounds = array<i64: 10000, 256>}]} {
    %eq3A = arith.constant 0 : i32
    %eq3A_0 = arith.cmpi eq, %arg0, %eq3A : i32
    %convert_element_type3A = arith.extui %eq3A_0 : i1 to i32
    %cond3A = arith.constant 0 : i32
    %cond3A_1 = arith.cmpi ne, %convert_element_type3A, %cond3A : i32
    scf.if %cond3A_1 {
      %broadcast_in_dim3A_532 = arith.constant 0.000000e+00 : f32
      %broadcast_in_dim3A_533 = vector.broadcast %broadcast_in_dim3A_532 : f32 to vector<20000x256xf32>
      %swap3A_534 = arith.constant 0 : index
      %swap3A_535 = arith.constant 0 : index
      %swap3A_536 = vector.load %arg6[%swap3A_534, %swap3A_535] : memref<20000x256xf32, #tpu.memory_space<vmem>>, vector<20000x256xf32>
      tpu.vector_store %arg6[%swap3A_534, %swap3A_535], %broadcast_in_dim3A_533 {strides = array<i32>} : memref<20000x256xf32, #tpu.memory_space<vmem>>, vector<20000x256xf32>,
    } else {
    }
    %get3A = arith.constant 0 : index
    %get3A_2 = arith.constant 0 : index
    %get3A_3 = vector.load %arg2[%get3A, %get3A_2] : memref<8x6400xf32, #tpu.memory_space<vmem>>, vector<1x6400xf32>
    %get3A_4 = arith.constant 1 : index
    %get3A_5 = arith.constant 0 : index
    %get3A_6 = vector.load %arg2[%get3A_4, %get3A_5] : memref<8x6400xf32, #tpu.memory_space<vmem>>, vector<1x6400xf32>
    %get3A_7 = arith.constant 2 : index
    %get3A_8 = arith.constant 0 : index
    %get3A_9 = vector.load %arg2[%get3A_7, %get3A_8] : memref<8x6400xf32, #tpu.memory_space<vmem>>, vector<1x6400xf32>
    %mul3A = arith.mulf %get3A_3, %get3A_3 : vector<1x6400xf32>
    %mul3A_10 = arith.mulf %get3A_6, %get3A_6 : vector<1x6400xf32>
    %add3A = arith.addf %mul3A, %mul3A_10 : vector<1x6400xf32>
    %mul3A_11 = arith.mulf %get3A_9, %get3A_9 : vector<1x6400xf32>
    %add3A_12 = arith.addf %add3A, %mul3A_11 : vector<1x6400xf32>
    %add3A_13 = arith.constant 9.99999996E-13 : f32
    %add3A_14 = vector.broadcast %add3A_13 : f32 to vector<1x6400xf32>
    %add3A_15 = arith.addf %add3A_12, %add3A_14 : vector<1x6400xf32>
    %sqrt3A = math.sqrt %add3A_15 : vector<1x6400xf32>
    %div3A = arith.constant 1.000000e+00 : f32
    %div3A_16 = vector.broadcast %div3A : f32 to vector<1x6400xf32>
    %div3A_17 = arith.divf %div3A_16, %sqrt3A : vector<1x6400xf32>
    %mul3A_18 = arith.mulf %get3A_3, %div3A_17 : vector<1x6400xf32>
    %mul3A_19 = arith.mulf %get3A_6, %div3A_17 : vector<1x6400xf32>
    %mul3A_20 = arith.mulf %get3A_9, %div3A_17 : vector<1x6400xf32>
    %lt3A = arith.constant 6.000000e+00 : f32
    %lt3A_21 = vector.broadcast %lt3A : f32 to vector<1x6400xf32>
    %lt3A_22 = arith.cmpf olt, %sqrt3A, %lt3A_21 : vector<1x6400xf32>
    %mul3A_23 = arith.constant 0.52359879 : f32
    %mul3A_24 = vector.broadcast %mul3A_23 : f32 to vector<1x6400xf32>
    %mul3A_25 = arith.mulf %mul3A_24, %sqrt3A : vector<1x6400xf32>
    %cos3A = math.cos %mul3A_25 : vector<1x6400xf32>
    %add3A_26 = arith.constant 1.000000e+00 : f32
    %add3A_27 = vector.broadcast %add3A_26 : f32 to vector<1x6400xf32>
    %add3A_28 = arith.addf %cos3A, %add3A_27 : vector<1x6400xf32>
    %mul3A_29 = arith.constant 5.000000e-01 : f32
    %mul3A_30 = vector.broadcast %mul3A_29 : f32 to vector<1x6400xf32>
    %mul3A_31 = arith.mulf %mul3A_30, %add3A_28 : vector<1x6400xf32>
    %jit3A = arith.constant 0.000000e+00 : f32
    %broadcast_in_dim3A = vector.broadcast %jit3A : f32 to vector<1x6400xf32>
    %select_n3A = arith.select %lt3A_22, %mul3A_31, %broadcast_in_dim3A : vector<1x6400xi1>, vector<1x6400xf32>
    %sub3A = arith.constant 5.000000e-01 : f32
    %sub3A_32 = vector.broadcast %sub3A : f32 to vector<1x6400xf32>
    %sub3A_33 = arith.subf %sqrt3A, %sub3A_32 : vector<1x6400xf32>
    %integer_pow3A = arith.mulf %sub3A_33, %sub3A_33 : vector<1x6400xf32>
    %mul3A_34 = arith.constant -1.36111116 : f32
    %mul3A_35 = vector.broadcast %mul3A_34 : f32 to vector<1x6400xf32>
    %mul3A_36 = arith.mulf %mul3A_35, %integer_pow3A : vector<1x6400xf32>
    %exp3A = math.exp %mul3A_36 : vector<1x6400xf32>
    %mul3A_37 = arith.constant 0.96481359 : f32
    %mul3A_38 = vector.broadcast %mul3A_37 : f32 to vector<1x6400xf32>
    %mul3A_39 = arith.mulf %mul3A_38, %exp3A : vector<1x6400xf32>
    %sub3A_40 = arith.constant 1.28571427 : f32
    %sub3A_41 = vector.broadcast %sub3A_40 : f32 to vector<1x6400xf32>
    %sub3A_42 = arith.subf %sqrt3A, %sub3A_41 : vector<1x6400xf32>
    %integer_pow3A_43 = arith.mulf %sub3A_42, %sub3A_42 : vector<1x6400xf32>
    %mul3A_44 = arith.constant -1.36111116 : f32
    %mul3A_45 = vector.broadcast %mul3A_44 : f32 to vector<1x6400xf32>
    %mul3A_46 = arith.mulf %mul3A_45, %integer_pow3A_43 : vector<1x6400xf32>
    %exp3A_47 = math.exp %mul3A_46 : vector<1x6400xf32>
    %mul3A_48 = arith.constant 0.96481359 : f32
    %mul3A_49 = vector.broadcast %mul3A_48 : f32 to vector<1x6400xf32>
    %mul3A_50 = arith.mulf %mul3A_49, %exp3A_47 : vector<1x6400xf32>
    %sub3A_51 = arith.constant 2.07142854 : f32
    %sub3A_52 = vector.broadcast %sub3A_51 : f32 to vector<1x6400xf32>
    %sub3A_53 = arith.subf %sqrt3A, %sub3A_52 : vector<1x6400xf32>
    %integer_pow3A_54 = arith.mulf %sub3A_53, %sub3A_53 : vector<1x6400xf32>
    %mul3A_55 = arith.constant -1.36111116 : f32
    %mul3A_56 = vector.broadcast %mul3A_55 : f32 to vector<1x6400xf32>
    %mul3A_57 = arith.mulf %mul3A_56, %integer_pow3A_54 : vector<1x6400xf32>
    %exp3A_58 = math.exp %mul3A_57 : vector<1x6400xf32>
    %mul3A_59 = arith.constant 0.96481359 : f32
    %mul3A_60 = vector.broadcast %mul3A_59 : f32 to vector<1x6400xf32>
    %mul3A_61 = arith.mulf %mul3A_60, %exp3A_58 : vector<1x6400xf32>
    %sub3A_62 = arith.constant 2.85714293 : f32
    %sub3A_63 = vector.broadcast %sub3A_62 : f32 to vector<1x6400xf32>
    %sub3A_64 = arith.subf %sqrt3A, %sub3A_63 : vector<1x6400xf32>
    %integer_pow3A_65 = arith.mulf %sub3A_64, %sub3A_64 : vector<1x6400xf32>
    %mul3A_66 = arith.constant -1.36111116 : f32
    %mul3A_67 = vector.broadcast %mul3A_66 : f32 to vector<1x6400xf32>
    %mul3A_68 = arith.mulf %mul3A_67, %integer_pow3A_65 : vector<1x6400xf32>
    %exp3A_69 = math.exp %mul3A_68 : vector<1x6400xf32>
    %mul3A_70 = arith.constant 0.96481359 : f32
    %mul3A_71 = vector.broadcast %mul3A_70 : f32 to vector<1x6400xf32>
    %mul3A_72 = arith.mulf %mul3A_71, %exp3A_69 : vector<1x6400xf32>
    %sub3A_73 = arith.constant 3.64285707 : f32
    %sub3A_74 = vector.broadcast %sub3A_73 : f32 to vector<1x6400xf32>
    %sub3A_75 = arith.subf %sqrt3A, %sub3A_74 : vector<1x6400xf32>
    %integer_pow3A_76 = arith.mulf %sub3A_75, %sub3A_75 : vector<1x6400xf32>
    %mul3A_77 = arith.constant -1.36111116 : f32
    %mul3A_78 = vector.broadcast %mul3A_77 : f32 to vector<1x6400xf32>
    %mul3A_79 = arith.mulf %mul3A_78, %integer_pow3A_76 : vector<1x6400xf32>
    %exp3A_80 = math.exp %mul3A_79 : vector<1x6400xf32>
    %mul3A_81 = arith.constant 0.96481359 : f32
    %mul3A_82 = vector.broadcast %mul3A_81 : f32 to vector<1x6400xf32>
    %mul3A_83 = arith.mulf %mul3A_82, %exp3A_80 : vector<1x6400xf32>
    %sub3A_84 = arith.constant 4.42857122 : f32
    %sub3A_85 = vector.broadcast %sub3A_84 : f32 to vector<1x6400xf32>
    %sub3A_86 = arith.subf %sqrt3A, %sub3A_85 : vector<1x6400xf32>
    %integer_pow3A_87 = arith.mulf %sub3A_86, %sub3A_86 : vector<1x6400xf32>
    %mul3A_88 = arith.constant -1.36111116 : f32
    %mul3A_89 = vector.broadcast %mul3A_88 : f32 to vector<1x6400xf32>
    %mul3A_90 = arith.mulf %mul3A_89, %integer_pow3A_87 : vector<1x6400xf32>
    %exp3A_91 = math.exp %mul3A_90 : vector<1x6400xf32>
    %mul3A_92 = arith.constant 0.96481359 : f32
    %mul3A_93 = vector.broadcast %mul3A_92 : f32 to vector<1x6400xf32>
    %mul3A_94 = arith.mulf %mul3A_93, %exp3A_91 : vector<1x6400xf32>
    %sub3A_95 = arith.constant 5.21428585 : f32
    %sub3A_96 = vector.broadcast %sub3A_95 : f32 to vector<1x6400xf32>
    %sub3A_97 = arith.subf %sqrt3A, %sub3A_96 : vector<1x6400xf32>
    %integer_pow3A_98 = arith.mulf %sub3A_97, %sub3A_97 : vector<1x6400xf32>
    %mul3A_99 = arith.constant -1.36111116 : f32
    %mul3A_100 = vector.broadcast %mul3A_99 : f32 to vector<1x6400xf32>
    %mul3A_101 = arith.mulf %mul3A_100, %integer_pow3A_98 : vector<1x6400xf32>
    %exp3A_102 = math.exp %mul3A_101 : vector<1x6400xf32>
    %mul3A_103 = arith.constant 0.96481359 : f32
    %mul3A_104 = vector.broadcast %mul3A_103 : f32 to vector<1x6400xf32>
    %mul3A_105 = arith.mulf %mul3A_104, %exp3A_102 : vector<1x6400xf32>
    %get3A_106 = arith.constant 0 : index
    %get3A_107 = arith.constant 0 : index
    %get3A_108 = vector.load %arg3[%get3A_106, %get3A_107] : memref<40x6400xf32, #tpu.memory_space<vmem>>, vector<1x6400xf32>
    %mul3A_109 = arith.mulf %get3A_108, %mul3A_39 : vector<1x6400xf32>
    %get3A_110 = arith.constant 1 : index
    %get3A_111 = arith.constant 0 : index
    %get3A_112 = vector.load %arg3[%get3A_110, %get3A_111] : memref<40x6400xf32, #tpu.memory_space<vmem>>, vector<1x6400xf32>
    %mul3A_113 = arith.mulf %get3A_112, %mul3A_50 : vector<1x6400xf32>
    %add3A_114 = arith.addf %mul3A_109, %mul3A_113 : vector<1x6400xf32>
    %get3A_115 = arith.constant 2 : index
    %get3A_116 = arith.constant 0 : index
    %get3A_117 = vector.load %arg3[%get3A_115, %get3A_116] : memref<40x6400xf32, #tpu.memory_space<vmem>>, vector<1x6400xf32>
    %mul3A_118 = arith.mulf %get3A_117, %mul3A_61 : vector<1x6400xf32>
    %add3A_119 = arith.addf %add3A_114, %mul3A_118 : vector<1x6400xf32>
    %get3A_120 = arith.constant 3 : index
    %get3A_121 = arith.constant 0 : index
    %get3A_122 = vector.load %arg3[%get3A_120, %get3A_121] : memref<40x6400xf32, #tpu.memory_space<vmem>>, vector<1x6400xf32>
    %mul3A_123 = arith.mulf %get3A_122, %mul3A_72 : vector<1x6400xf32>
    %add3A_124 = arith.addf %add3A_119, %mul3A_123 : vector<1x6400xf32>
    %get3A_125 = arith.constant 4 : index
    %get3A_126 = arith.constant 0 : index
    %get3A_127 = vector.load %arg3[%get3A_125, %get3A_126] : memref<40x6400xf32, #tpu.memory_space<vmem>>, vector<1x6400xf32>
    %mul3A_128 = arith.mulf %get3A_127, %mul3A_83 : vector<1x6400xf32>
    %add3A_129 = arith.addf %add3A_124, %mul3A_128 : vector<1x6400xf32>
    %get3A_130 = arith.constant 5 : index
    %get3A_131 = arith.constant 0 : index
    %get3A_132 = vector.load %arg3[%get3A_130, %get3A_131] : memref<40x6400xf32, #tpu.memory_space<vmem>>, vector<1x6400xf32>
    %mul3A_133 = arith.mulf %get3A_132, %mul3A_94 : vector<1x6400xf32>
    %add3A_134 = arith.addf %add3A_129, %mul3A_133 : vector<1x6400xf32>
    %get3A_135 = arith.constant 6 : index
    %get3A_136 = arith.constant 0 : index
    %get3A_137 = vector.load %arg3[%get3A_135, %get3A_136] : memref<40x6400xf32, #tpu.memory_space<vmem>>, vector<1x6400xf32>
    %mul3A_138 = arith.mulf %get3A_137, %mul3A_105 : vector<1x6400xf32>
    %add3A_139 = arith.addf %add3A_134, %mul3A_138 : vector<1x6400xf32>
    %mul3A_140 = arith.mulf %add3A_139, %select_n3A : vector<1x6400xf32>
    %get3A_141 = arith.constant 7 : index
    %get3A_142 = arith.constant 0 : index
    %get3A_143 = vector.load %arg3[%get3A_141, %get3A_142] : memref<40x6400xf32, #tpu.memory_space<vmem>>, vector<1x6400xf32>
    %mul3A_144 = arith.mulf %get3A_143, %mul3A_39 : vector<1x6400xf32>
    %get3A_145 = arith.constant 8 : index
    %get3A_146 = arith.constant 0 : index
    %get3A_147 = vector.load %arg3[%get3A_145, %get3A_146] : memref<40x6400xf32, #tpu.memory_space<vmem>>, vector<1x6400xf32>
    %mul3A_148 = arith.mulf %get3A_147, %mul3A_50 : vector<1x6400xf32>
    %add3A_149 = arith.addf %mul3A_144, %mul3A_148 : vector<1x6400xf32>
    %get3A_150 = arith.constant 9 : index
    %get3A_151 = arith.constant 0 : index
    %get3A_152 = vector.load %arg3[%get3A_150, %get3A_151] : memref<40x6400xf32, #tpu.memory_space<vmem>>, vector<1x6400xf32>
    %mul3A_153 = arith.mulf %get3A_152, %mul3A_61 : vector<1x6400xf32>
    %add3A_154 = arith.addf %add3A_149, %mul3A_153 : vector<1x6400xf32>
    %get3A_155 = arith.constant 10 : index
    %get3A_156 = arith.constant 0 : index
    %get3A_157 = vector.load %arg3[%get3A_155, %get3A_156] : memref<40x6400xf32, #tpu.memory_space<vmem>>, vector<1x6400xf32>
    %mul3A_158 = arith.mulf %get3A_157, %mul3A_72 : vector<1x6400xf32>
    %add3A_159 = arith.addf %add3A_154, %mul3A_158 : vector<1x6400xf32>
    %get3A_160 = arith.constant 11 : index
    %get3A_161 = arith.constant 0 : index
    %get3A_162 = vector.load %arg3[%get3A_160, %get3A_161] : memref<40x6400xf32, #tpu.memory_space<vmem>>, vector<1x6400xf32>
    %mul3A_163 = arith.mulf %get3A_162, %mul3A_83 : vector<1x6400xf32>
    %add3A_164 = arith.addf %add3A_159, %mul3A_163 : vector<1x6400xf32>
    %get3A_165 = arith.constant 12 : index
    %get3A_166 = arith.constant 0 : index
    %get3A_167 = vector.load %arg3[%get3A_165, %get3A_166] : memref<40x6400xf32, #tpu.memory_space<vmem>>, vector<1x6400xf32>
    %mul3A_168 = arith.mulf %get3A_167, %mul3A_94 : vector<1x6400xf32>
    %add3A_169 = arith.addf %add3A_164, %mul3A_168 : vector<1x6400xf32>
    %get3A_170 = arith.constant 13 : index
    %get3A_171 = arith.constant 0 : index
    %get3A_172 = vector.load %arg3[%get3A_170, %get3A_171] : memref<40x6400xf32, #tpu.memory_space<vmem>>, vector<1x6400xf32>
    %mul3A_173 = arith.mulf %get3A_172, %mul3A_105 : vector<1x6400xf32>
    %add3A_174 = arith.addf %add3A_169, %mul3A_173 : vector<1x6400xf32>
    %mul3A_175 = arith.mulf %add3A_174, %select_n3A : vector<1x6400xf32>
    %get3A_176 = arith.constant 14 : index
    %get3A_177 = arith.constant 0 : index
    %get3A_178 = vector.load %arg3[%get3A_176, %get3A_177] : memref<40x6400xf32, #tpu.memory_space<vmem>>, vector<1x6400xf32>
    %mul3A_179 = arith.mulf %get3A_178, %mul3A_39 : vector<1x6400xf32>
    %get3A_180 = arith.constant 15 : index
    %get3A_181 = arith.constant 0 : index
    %get3A_182 = vector.load %arg3[%get3A_180, %get3A_181] : memref<40x6400xf32, #tpu.memory_space<vmem>>, vector<1x6400xf32>
    %mul3A_183 = arith.mulf %get3A_182, %mul3A_50 : vector<1x6400xf32>
    %add3A_184 = arith.addf %mul3A_179, %mul3A_183 : vector<1x6400xf32>
    %get3A_185 = arith.constant 16 : index
    %get3A_186 = arith.constant 0 : index
    %get3A_187 = vector.load %arg3[%get3A_185, %get3A_186] : memref<40x6400xf32, #tpu.memory_space<vmem>>, vector<1x6400xf32>
    %mul3A_188 = arith.mulf %get3A_187, %mul3A_61 : vector<1x6400xf32>
    %add3A_189 = arith.addf %add3A_184, %mul3A_188 : vector<1x6400xf32>
    %get3A_190 = arith.constant 17 : index
    %get3A_191 = arith.constant 0 : index
    %get3A_192 = vector.load %arg3[%get3A_190, %get3A_191] : memref<40x6400xf32, #tpu.memory_space<vmem>>, vector<1x6400xf32>
    %mul3A_193 = arith.mulf %get3A_192, %mul3A_72 : vector<1x6400xf32>
    %add3A_194 = arith.addf %add3A_189, %mul3A_193 : vector<1x6400xf32>
    %get3A_195 = arith.constant 18 : index
    %get3A_196 = arith.constant 0 : index
    %get3A_197 = vector.load %arg3[%get3A_195, %get3A_196] : memref<40x6400xf32, #tpu.memory_space<vmem>>, vector<1x6400xf32>
    %mul3A_198 = arith.mulf %get3A_197, %mul3A_83 : vector<1x6400xf32>
    %add3A_199 = arith.addf %add3A_194, %mul3A_198 : vector<1x6400xf32>
    %get3A_200 = arith.constant 19 : index
    %get3A_201 = arith.constant 0 : index
    %get3A_202 = vector.load %arg3[%get3A_200, %get3A_201] : memref<40x6400xf32, #tpu.memory_space<vmem>>, vector<1x6400xf32>
    %mul3A_203 = arith.mulf %get3A_202, %mul3A_94 : vector<1x6400xf32>
    %add3A_204 = arith.addf %add3A_199, %mul3A_203 : vector<1x6400xf32>
    %get3A_205 = arith.constant 20 : index
    %get3A_206 = arith.constant 0 : index
    %get3A_207 = vector.load %arg3[%get3A_205, %get3A_206] : memref<40x6400xf32, #tpu.memory_space<vmem>>, vector<1x6400xf32>
    %mul3A_208 = arith.mulf %get3A_207, %mul3A_105 : vector<1x6400xf32>
    %add3A_209 = arith.addf %add3A_204, %mul3A_208 : vector<1x6400xf32>
    %mul3A_210 = arith.mulf %add3A_209, %select_n3A : vector<1x6400xf32>
    %get3A_211 = arith.constant 21 : index
    %get3A_212 = arith.constant 0 : index
    %get3A_213 = vector.load %arg3[%get3A_211, %get3A_212] : memref<40x6400xf32, #tpu.memory_space<vmem>>, vector<1x6400xf32>
    %mul3A_214 = arith.mulf %get3A_213, %mul3A_39 : vector<1x6400xf32>
    %get3A_215 = arith.constant 22 : index
    %get3A_216 = arith.constant 0 : index
    %get3A_217 = vector.load %arg3[%get3A_215, %get3A_216] : memref<40x6400xf32, #tpu.memory_space<vmem>>, vector<1x6400xf32>
    %mul3A_218 = arith.mulf %get3A_217, %mul3A_50 : vector<1x6400xf32>
    %add3A_219 = arith.addf %mul3A_214, %mul3A_218 : vector<1x6400xf32>
    %get3A_220 = arith.constant 23 : index
    %get3A_221 = arith.constant 0 : index
    %get3A_222 = vector.load %arg3[%get3A_220, %get3A_221] : memref<40x6400xf32, #tpu.memory_space<vmem>>, vector<1x6400xf32>
    %mul3A_223 = arith.mulf %get3A_222, %mul3A_61 : vector<1x6400xf32>
    %add3A_224 = arith.addf %add3A_219, %mul3A_223 : vector<1x6400xf32>
    %get3A_225 = arith.constant 24 : index
    %get3A_226 = arith.constant 0 : index
    %get3A_227 = vector.load %arg3[%get3A_225, %get3A_226] : memref<40x6400xf32, #tpu.memory_space<vmem>>, vector<1x6400xf32>
    %mul3A_228 = arith.mulf %get3A_227, %mul3A_72 : vector<1x6400xf32>
    %add3A_229 = arith.addf %add3A_224, %mul3A_228 : vector<1x6400xf32>
    %get3A_230 = arith.constant 25 : index
    %get3A_231 = arith.constant 0 : index
    %get3A_232 = vector.load %arg3[%get3A_230, %get3A_231] : memref<40x6400xf32, #tpu.memory_space<vmem>>, vector<1x6400xf32>
    %mul3A_233 = arith.mulf %get3A_232, %mul3A_83 : vector<1x6400xf32>
    %add3A_234 = arith.addf %add3A_229, %mul3A_233 : vector<1x6400xf32>
    %get3A_235 = arith.constant 26 : index
    %get3A_236 = arith.constant 0 : index
    %get3A_237 = vector.load %arg3[%get3A_235, %get3A_236] : memref<40x6400xf32, #tpu.memory_space<vmem>>, vector<1x6400xf32>
    %mul3A_238 = arith.mulf %get3A_237, %mul3A_94 : vector<1x6400xf32>
    %add3A_239 = arith.addf %add3A_234, %mul3A_238 : vector<1x6400xf32>
    %get3A_240 = arith.constant 27 : index
    %get3A_241 = arith.constant 0 : index
    %get3A_242 = vector.load %arg3[%get3A_240, %get3A_241] : memref<40x6400xf32, #tpu.memory_space<vmem>>, vector<1x6400xf32>
    %mul3A_243 = arith.mulf %get3A_242, %mul3A_105 : vector<1x6400xf32>
    %add3A_244 = arith.addf %add3A_239, %mul3A_243 : vector<1x6400xf32>
    %mul3A_245 = arith.mulf %add3A_244, %select_n3A : vector<1x6400xf32>
    %get3A_246 = arith.constant 28 : index
    %get3A_247 = arith.constant 0 : index
    %get3A_248 = vector.load %arg3[%get3A_246, %get3A_247] : memref<40x6400xf32, #tpu.memory_space<vmem>>, vector<1x6400xf32>
    %mul3A_249 = arith.mulf %get3A_248, %mul3A_39 : vector<1x6400xf32>
    %get3A_250 = arith.constant 29 : index
    %get3A_251 = arith.constant 0 : index
    %get3A_252 = vector.load %arg3[%get3A_250, %get3A_251] : memref<40x6400xf32, #tpu.memory_space<vmem>>, vector<1x6400xf32>
    %mul3A_253 = arith.mulf %get3A_252, %mul3A_50 : vector<1x6400xf32>
    %add3A_254 = arith.addf %mul3A_249, %mul3A_253 : vector<1x6400xf32>
    %get3A_255 = arith.constant 30 : index
    %get3A_256 = arith.constant 0 : index
    %get3A_257 = vector.load %arg3[%get3A_255, %get3A_256] : memref<40x6400xf32, #tpu.memory_space<vmem>>, vector<1x6400xf32>
    %mul3A_258 = arith.mulf %get3A_257, %mul3A_61 : vector<1x6400xf32>
    %add3A_259 = arith.addf %add3A_254, %mul3A_258 : vector<1x6400xf32>
    %get3A_260 = arith.constant 31 : index
    %get3A_261 = arith.constant 0 : index
    %get3A_262 = vector.load %arg3[%get3A_260, %get3A_261] : memref<40x6400xf32, #tpu.memory_space<vmem>>, vector<1x6400xf32>
    %mul3A_263 = arith.mulf %get3A_262, %mul3A_72 : vector<1x6400xf32>
    %add3A_264 = arith.addf %add3A_259, %mul3A_263 : vector<1x6400xf32>
    %get3A_265 = arith.constant 32 : index
    %get3A_266 = arith.constant 0 : index
    %get3A_267 = vector.load %arg3[%get3A_265, %get3A_266] : memref<40x6400xf32, #tpu.memory_space<vmem>>, vector<1x6400xf32>
    %mul3A_268 = arith.mulf %get3A_267, %mul3A_83 : vector<1x6400xf32>
    %add3A_269 = arith.addf %add3A_264, %mul3A_268 : vector<1x6400xf32>
    %get3A_270 = arith.constant 33 : index
    %get3A_271 = arith.constant 0 : index
    %get3A_272 = vector.load %arg3[%get3A_270, %get3A_271] : memref<40x6400xf32, #tpu.memory_space<vmem>>, vector<1x6400xf32>
    %mul3A_273 = arith.mulf %get3A_272, %mul3A_94 : vector<1x6400xf32>
    %add3A_274 = arith.addf %add3A_269, %mul3A_273 : vector<1x6400xf32>
    %get3A_275 = arith.constant 34 : index
    %get3A_276 = arith.constant 0 : index
    %get3A_277 = vector.load %arg3[%get3A_275, %get3A_276] : memref<40x6400xf32, #tpu.memory_space<vmem>>, vector<1x6400xf32>
    %mul3A_278 = arith.mulf %get3A_277, %mul3A_105 : vector<1x6400xf32>
    %add3A_279 = arith.addf %add3A_274, %mul3A_278 : vector<1x6400xf32>
    %mul3A_280 = arith.mulf %add3A_279, %select_n3A : vector<1x6400xf32>
    %broadcast_in_dim3A_281 = arith.constant 1.000000e+00 : f32
    %broadcast_in_dim3A_282 = vector.broadcast %broadcast_in_dim3A_281 : f32 to vector<1x6400xf32>
    %mul3A_283 = arith.mulf %mul3A_18, %mul3A_18 : vector<1x6400xf32>
    %mul3A_284 = arith.mulf %mul3A_18, %mul3A_19 : vector<1x6400xf32>
    %mul3A_285 = arith.mulf %mul3A_18, %mul3A_20 : vector<1x6400xf32>
    %mul3A_286 = arith.mulf %mul3A_19, %mul3A_18 : vector<1x6400xf32>
    %mul3A_287 = arith.mulf %mul3A_19, %mul3A_19 : vector<1x6400xf32>
    %mul3A_288 = arith.mulf %mul3A_19, %mul3A_20 : vector<1x6400xf32>
    %mul3A_289 = arith.mulf %mul3A_20, %mul3A_18 : vector<1x6400xf32>
    %mul3A_290 = arith.mulf %mul3A_20, %mul3A_19 : vector<1x6400xf32>
    %mul3A_291 = arith.mulf %mul3A_20, %mul3A_20 : vector<1x6400xf32>
    %mul3A_292 = arith.mulf %mul3A_283, %mul3A_18 : vector<1x6400xf32>
    %mul3A_293 = arith.mulf %mul3A_283, %mul3A_19 : vector<1x6400xf32>
    %mul3A_294 = arith.mulf %mul3A_283, %mul3A_20 : vector<1x6400xf32>
    %mul3A_295 = arith.mulf %mul3A_284, %mul3A_18 : vector<1x6400xf32>
    %mul3A_296 = arith.mulf %mul3A_284, %mul3A_19 : vector<1x6400xf32>
    %mul3A_297 = arith.mulf %mul3A_284, %mul3A_20 : vector<1x6400xf32>
    %mul3A_298 = arith.mulf %mul3A_285, %mul3A_18 : vector<1x6400xf32>
    %mul3A_299 = arith.mulf %mul3A_285, %mul3A_19 : vector<1x6400xf32>
    %mul3A_300 = arith.mulf %mul3A_285, %mul3A_20 : vector<1x6400xf32>
    %mul3A_301 = arith.mulf %mul3A_286, %mul3A_18 : vector<1x6400xf32>
    %mul3A_302 = arith.mulf %mul3A_286, %mul3A_19 : vector<1x6400xf32>
    %mul3A_303 = arith.mulf %mul3A_286, %mul3A_20 : vector<1x6400xf32>
    %mul3A_304 = arith.mulf %mul3A_287, %mul3A_18 : vector<1x6400xf32>
    %mul3A_305 = arith.mulf %mul3A_287, %mul3A_19 : vector<1x6400xf32>
    %mul3A_306 = arith.mulf %mul3A_287, %mul3A_20 : vector<1x6400xf32>
    %mul3A_307 = arith.mulf %mul3A_288, %mul3A_18 : vector<1x6400xf32>
    %mul3A_308 = arith.mulf %mul3A_288, %mul3A_19 : vector<1x6400xf32>
    %mul3A_309 = arith.mulf %mul3A_288, %mul3A_20 : vector<1x6400xf32>
    %mul3A_310 = arith.mulf %mul3A_289, %mul3A_18 : vector<1x6400xf32>
    %mul3A_311 = arith.mulf %mul3A_289, %mul3A_19 : vector<1x6400xf32>
    %mul3A_312 = arith.mulf %mul3A_289, %mul3A_20 : vector<1x6400xf32>
    %mul3A_313 = arith.mulf %mul3A_290, %mul3A_18 : vector<1x6400xf32>
    %mul3A_314 = arith.mulf %mul3A_290, %mul3A_19 : vector<1x6400xf32>
    %mul3A_315 = arith.mulf %mul3A_290, %mul3A_20 : vector<1x6400xf32>
    %mul3A_316 = arith.mulf %mul3A_291, %mul3A_18 : vector<1x6400xf32>
    %mul3A_317 = arith.mulf %mul3A_291, %mul3A_19 : vector<1x6400xf32>
    %mul3A_318 = arith.mulf %mul3A_291, %mul3A_20 : vector<1x6400xf32>
    %mul3A_319 = arith.mulf %mul3A_140, %broadcast_in_dim3A_282 : vector<1x6400xf32>
    %mul3A_320 = arith.mulf %mul3A_140, %mul3A_18 : vector<1x6400xf32>
    %mul3A_321 = arith.mulf %mul3A_140, %mul3A_19 : vector<1x6400xf32>
    %mul3A_322 = arith.mulf %mul3A_140, %mul3A_20 : vector<1x6400xf32>
    %mul3A_323 = arith.mulf %mul3A_140, %mul3A_283 : vector<1x6400xf32>
    %mul3A_324 = arith.mulf %mul3A_140, %mul3A_284 : vector<1x6400xf32>
    %mul3A_325 = arith.mulf %mul3A_140, %mul3A_285 : vector<1x6400xf32>
    %mul3A_326 = arith.mulf %mul3A_140, %mul3A_286 : vector<1x6400xf32>
    %mul3A_327 = arith.mulf %mul3A_140, %mul3A_287 : vector<1x6400xf32>
    %mul3A_328 = arith.mulf %mul3A_140, %mul3A_288 : vector<1x6400xf32>
    %mul3A_329 = arith.mulf %mul3A_140, %mul3A_289 : vector<1x6400xf32>
    %mul3A_330 = arith.mulf %mul3A_140, %mul3A_290 : vector<1x6400xf32>
    %mul3A_331 = arith.mulf %mul3A_140, %mul3A_291 : vector<1x6400xf32>
    %mul3A_332 = arith.mulf %mul3A_140, %mul3A_292 : vector<1x6400xf32>
    %mul3A_333 = arith.mulf %mul3A_140, %mul3A_293 : vector<1x6400xf32>
    %mul3A_334 = arith.mulf %mul3A_140, %mul3A_294 : vector<1x6400xf32>
    %mul3A_335 = arith.mulf %mul3A_140, %mul3A_295 : vector<1x6400xf32>
    %mul3A_336 = arith.mulf %mul3A_140, %mul3A_296 : vector<1x6400xf32>
    %mul3A_337 = arith.mulf %mul3A_140, %mul3A_297 : vector<1x6400xf32>
    %mul3A_338 = arith.mulf %mul3A_140, %mul3A_298 : vector<1x6400xf32>
    %mul3A_339 = arith.mulf %mul3A_140, %mul3A_299 : vector<1x6400xf32>
    %mul3A_340 = arith.mulf %mul3A_140, %mul3A_300 : vector<1x6400xf32>
    %mul3A_341 = arith.mulf %mul3A_140, %mul3A_301 : vector<1x6400xf32>
    %mul3A_342 = arith.mulf %mul3A_140, %mul3A_302 : vector<1x6400xf32>
    %mul3A_343 = arith.mulf %mul3A_140, %mul3A_303 : vector<1x6400xf32>
    %mul3A_344 = arith.mulf %mul3A_140, %mul3A_304 : vector<1x6400xf32>
    %mul3A_345 = arith.mulf %mul3A_140, %mul3A_305 : vector<1x6400xf32>
    %mul3A_346 = arith.mulf %mul3A_140, %mul3A_306 : vector<1x6400xf32>
    %mul3A_347 = arith.mulf %mul3A_140, %mul3A_307 : vector<1x6400xf32>
    %mul3A_348 = arith.mulf %mul3A_140, %mul3A_308 : vector<1x6400xf32>
    %mul3A_349 = arith.mulf %mul3A_140, %mul3A_309 : vector<1x6400xf32>
    %mul3A_350 = arith.mulf %mul3A_140, %mul3A_310 : vector<1x6400xf32>
    %mul3A_351 = arith.mulf %mul3A_140, %mul3A_311 : vector<1x6400xf32>
    %mul3A_352 = arith.mulf %mul3A_140, %mul3A_312 : vector<1x6400xf32>
    %mul3A_353 = arith.mulf %mul3A_140, %mul3A_313 : vector<1x6400xf32>
    %mul3A_354 = arith.mulf %mul3A_140, %mul3A_314 : vector<1x6400xf32>
    %mul3A_355 = arith.mulf %mul3A_140, %mul3A_315 : vector<1x6400xf32>
    %mul3A_356 = arith.mulf %mul3A_140, %mul3A_316 : vector<1x6400xf32>
    %mul3A_357 = arith.mulf %mul3A_140, %mul3A_317 : vector<1x6400xf32>
    %mul3A_358 = arith.mulf %mul3A_140, %mul3A_318 : vector<1x6400xf32>
    %mul3A_359 = arith.mulf %mul3A_175, %broadcast_in_dim3A_282 : vector<1x6400xf32>
    %mul3A_360 = arith.mulf %mul3A_175, %mul3A_18 : vector<1x6400xf32>
    %mul3A_361 = arith.mulf %mul3A_175, %mul3A_19 : vector<1x6400xf32>
    %mul3A_362 = arith.mulf %mul3A_175, %mul3A_20 : vector<1x6400xf32>
    %mul3A_363 = arith.mulf %mul3A_175, %mul3A_283 : vector<1x6400xf32>
    %mul3A_364 = arith.mulf %mul3A_175, %mul3A_284 : vector<1x6400xf32>
    %mul3A_365 = arith.mulf %mul3A_175, %mul3A_285 : vector<1x6400xf32>
    %mul3A_366 = arith.mulf %mul3A_175, %mul3A_286 : vector<1x6400xf32>
    %mul3A_367 = arith.mulf %mul3A_175, %mul3A_287 : vector<1x6400xf32>
    %mul3A_368 = arith.mulf %mul3A_175, %mul3A_288 : vector<1x6400xf32>
    %mul3A_369 = arith.mulf %mul3A_175, %mul3A_289 : vector<1x6400xf32>
    %mul3A_370 = arith.mulf %mul3A_175, %mul3A_290 : vector<1x6400xf32>
    %mul3A_371 = arith.mulf %mul3A_175, %mul3A_291 : vector<1x6400xf32>
    %mul3A_372 = arith.mulf %mul3A_175, %mul3A_292 : vector<1x6400xf32>
    %mul3A_373 = arith.mulf %mul3A_175, %mul3A_293 : vector<1x6400xf32>
    %mul3A_374 = arith.mulf %mul3A_175, %mul3A_294 : vector<1x6400xf32>
    %mul3A_375 = arith.mulf %mul3A_175, %mul3A_295 : vector<1x6400xf32>
    %mul3A_376 = arith.mulf %mul3A_175, %mul3A_296 : vector<1x6400xf32>
    %mul3A_377 = arith.mulf %mul3A_175, %mul3A_297 : vector<1x6400xf32>
    %mul3A_378 = arith.mulf %mul3A_175, %mul3A_298 : vector<1x6400xf32>
    %mul3A_379 = arith.mulf %mul3A_175, %mul3A_299 : vector<1x6400xf32>
    %mul3A_380 = arith.mulf %mul3A_175, %mul3A_300 : vector<1x6400xf32>
    %mul3A_381 = arith.mulf %mul3A_175, %mul3A_301 : vector<1x6400xf32>
    %mul3A_382 = arith.mulf %mul3A_175, %mul3A_302 : vector<1x6400xf32>
    %mul3A_383 = arith.mulf %mul3A_175, %mul3A_303 : vector<1x6400xf32>
    %mul3A_384 = arith.mulf %mul3A_175, %mul3A_304 : vector<1x6400xf32>
    %mul3A_385 = arith.mulf %mul3A_175, %mul3A_305 : vector<1x6400xf32>
    %mul3A_386 = arith.mulf %mul3A_175, %mul3A_306 : vector<1x6400xf32>
    %mul3A_387 = arith.mulf %mul3A_175, %mul3A_307 : vector<1x6400xf32>
    %mul3A_388 = arith.mulf %mul3A_175, %mul3A_308 : vector<1x6400xf32>
    %mul3A_389 = arith.mulf %mul3A_175, %mul3A_309 : vector<1x6400xf32>
    %mul3A_390 = arith.mulf %mul3A_175, %mul3A_310 : vector<1x6400xf32>
    %mul3A_391 = arith.mulf %mul3A_175, %mul3A_311 : vector<1x6400xf32>
    %mul3A_392 = arith.mulf %mul3A_175, %mul3A_312 : vector<1x6400xf32>
    %mul3A_393 = arith.mulf %mul3A_175, %mul3A_313 : vector<1x6400xf32>
    %mul3A_394 = arith.mulf %mul3A_175, %mul3A_314 : vector<1x6400xf32>
    %mul3A_395 = arith.mulf %mul3A_175, %mul3A_315 : vector<1x6400xf32>
    %mul3A_396 = arith.mulf %mul3A_175, %mul3A_316 : vector<1x6400xf32>
    %mul3A_397 = arith.mulf %mul3A_175, %mul3A_317 : vector<1x6400xf32>
    %mul3A_398 = arith.mulf %mul3A_175, %mul3A_318 : vector<1x6400xf32>
    %mul3A_399 = arith.mulf %mul3A_210, %broadcast_in_dim3A_282 : vector<1x6400xf32>
    %mul3A_400 = arith.mulf %mul3A_210, %mul3A_18 : vector<1x6400xf32>
    %mul3A_401 = arith.mulf %mul3A_210, %mul3A_19 : vector<1x6400xf32>
    %mul3A_402 = arith.mulf %mul3A_210, %mul3A_20 : vector<1x6400xf32>
    %mul3A_403 = arith.mulf %mul3A_210, %mul3A_283 : vector<1x6400xf32>
    %mul3A_404 = arith.mulf %mul3A_210, %mul3A_284 : vector<1x6400xf32>
    %mul3A_405 = arith.mulf %mul3A_210, %mul3A_285 : vector<1x6400xf32>
    %mul3A_406 = arith.mulf %mul3A_210, %mul3A_286 : vector<1x6400xf32>
    %mul3A_407 = arith.mulf %mul3A_210, %mul3A_287 : vector<1x6400xf32>
    %mul3A_408 = arith.mulf %mul3A_210, %mul3A_288 : vector<1x6400xf32>
    %mul3A_409 = arith.mulf %mul3A_210, %mul3A_289 : vector<1x6400xf32>
    %mul3A_410 = arith.mulf %mul3A_210, %mul3A_290 : vector<1x6400xf32>
    %mul3A_411 = arith.mulf %mul3A_210, %mul3A_291 : vector<1x6400xf32>
    %mul3A_412 = arith.mulf %mul3A_210, %mul3A_292 : vector<1x6400xf32>
    %mul3A_413 = arith.mulf %mul3A_210, %mul3A_293 : vector<1x6400xf32>
    %mul3A_414 = arith.mulf %mul3A_210, %mul3A_294 : vector<1x6400xf32>
    %mul3A_415 = arith.mulf %mul3A_210, %mul3A_295 : vector<1x6400xf32>
    %mul3A_416 = arith.mulf %mul3A_210, %mul3A_296 : vector<1x6400xf32>
    %mul3A_417 = arith.mulf %mul3A_210, %mul3A_297 : vector<1x6400xf32>
    %mul3A_418 = arith.mulf %mul3A_210, %mul3A_298 : vector<1x6400xf32>
    %mul3A_419 = arith.mulf %mul3A_210, %mul3A_299 : vector<1x6400xf32>
    %mul3A_420 = arith.mulf %mul3A_210, %mul3A_300 : vector<1x6400xf32>
    %mul3A_421 = arith.mulf %mul3A_210, %mul3A_301 : vector<1x6400xf32>
    %mul3A_422 = arith.mulf %mul3A_210, %mul3A_302 : vector<1x6400xf32>
    %mul3A_423 = arith.mulf %mul3A_210, %mul3A_303 : vector<1x6400xf32>
    %mul3A_424 = arith.mulf %mul3A_210, %mul3A_304 : vector<1x6400xf32>
    %mul3A_425 = arith.mulf %mul3A_210, %mul3A_305 : vector<1x6400xf32>
    %mul3A_426 = arith.mulf %mul3A_210, %mul3A_306 : vector<1x6400xf32>
    %mul3A_427 = arith.mulf %mul3A_210, %mul3A_307 : vector<1x6400xf32>
    %mul3A_428 = arith.mulf %mul3A_210, %mul3A_308 : vector<1x6400xf32>
    %mul3A_429 = arith.mulf %mul3A_210, %mul3A_309 : vector<1x6400xf32>
    %mul3A_430 = arith.mulf %mul3A_210, %mul3A_310 : vector<1x6400xf32>
    %mul3A_431 = arith.mulf %mul3A_210, %mul3A_311 : vector<1x6400xf32>
    %mul3A_432 = arith.mulf %mul3A_210, %mul3A_312 : vector<1x6400xf32>
    %mul3A_433 = arith.mulf %mul3A_210, %mul3A_313 : vector<1x6400xf32>
    %mul3A_434 = arith.mulf %mul3A_210, %mul3A_314 : vector<1x6400xf32>
    %mul3A_435 = arith.mulf %mul3A_210, %mul3A_315 : vector<1x6400xf32>
    %mul3A_436 = arith.mulf %mul3A_210, %mul3A_316 : vector<1x6400xf32>
    %mul3A_437 = arith.mulf %mul3A_210, %mul3A_317 : vector<1x6400xf32>
    %mul3A_438 = arith.mulf %mul3A_210, %mul3A_318 : vector<1x6400xf32>
    %mul3A_439 = arith.mulf %mul3A_245, %broadcast_in_dim3A_282 : vector<1x6400xf32>
    %mul3A_440 = arith.mulf %mul3A_245, %mul3A_18 : vector<1x6400xf32>
    %mul3A_441 = arith.mulf %mul3A_245, %mul3A_19 : vector<1x6400xf32>
    %mul3A_442 = arith.mulf %mul3A_245, %mul3A_20 : vector<1x6400xf32>
    %mul3A_443 = arith.mulf %mul3A_245, %mul3A_283 : vector<1x6400xf32>
    %mul3A_444 = arith.mulf %mul3A_245, %mul3A_284 : vector<1x6400xf32>
    %mul3A_445 = arith.mulf %mul3A_245, %mul3A_285 : vector<1x6400xf32>
    %mul3A_446 = arith.mulf %mul3A_245, %mul3A_286 : vector<1x6400xf32>
    %mul3A_447 = arith.mulf %mul3A_245, %mul3A_287 : vector<1x6400xf32>
    %mul3A_448 = arith.mulf %mul3A_245, %mul3A_288 : vector<1x6400xf32>
    %mul3A_449 = arith.mulf %mul3A_245, %mul3A_289 : vector<1x6400xf32>
    %mul3A_450 = arith.mulf %mul3A_245, %mul3A_290 : vector<1x6400xf32>
    %mul3A_451 = arith.mulf %mul3A_245, %mul3A_291 : vector<1x6400xf32>
    %mul3A_452 = arith.mulf %mul3A_245, %mul3A_292 : vector<1x6400xf32>
    %mul3A_453 = arith.mulf %mul3A_245, %mul3A_293 : vector<1x6400xf32>
    %mul3A_454 = arith.mulf %mul3A_245, %mul3A_294 : vector<1x6400xf32>
    %mul3A_455 = arith.mulf %mul3A_245, %mul3A_295 : vector<1x6400xf32>
    %mul3A_456 = arith.mulf %mul3A_245, %mul3A_296 : vector<1x6400xf32>
    %mul3A_457 = arith.mulf %mul3A_245, %mul3A_297 : vector<1x6400xf32>
    %mul3A_458 = arith.mulf %mul3A_245, %mul3A_298 : vector<1x6400xf32>
    %mul3A_459 = arith.mulf %mul3A_245, %mul3A_299 : vector<1x6400xf32>
    %mul3A_460 = arith.mulf %mul3A_245, %mul3A_300 : vector<1x6400xf32>
    %mul3A_461 = arith.mulf %mul3A_245, %mul3A_301 : vector<1x6400xf32>
    %mul3A_462 = arith.mulf %mul3A_245, %mul3A_302 : vector<1x6400xf32>
    %mul3A_463 = arith.mulf %mul3A_245, %mul3A_303 : vector<1x6400xf32>
    %mul3A_464 = arith.mulf %mul3A_245, %mul3A_304 : vector<1x6400xf32>
    %mul3A_465 = arith.mulf %mul3A_245, %mul3A_305 : vector<1x6400xf32>
    %mul3A_466 = arith.mulf %mul3A_245, %mul3A_306 : vector<1x6400xf32>
    %mul3A_467 = arith.mulf %mul3A_245, %mul3A_307 : vector<1x6400xf32>
    %mul3A_468 = arith.mulf %mul3A_245, %mul3A_308 : vector<1x6400xf32>
    %mul3A_469 = arith.mulf %mul3A_245, %mul3A_309 : vector<1x6400xf32>
    %mul3A_470 = arith.mulf %mul3A_245, %mul3A_310 : vector<1x6400xf32>
    %mul3A_471 = arith.mulf %mul3A_245, %mul3A_311 : vector<1x6400xf32>
    %mul3A_472 = arith.mulf %mul3A_245, %mul3A_312 : vector<1x6400xf32>
    %mul3A_473 = arith.mulf %mul3A_245, %mul3A_313 : vector<1x6400xf32>
    %mul3A_474 = arith.mulf %mul3A_245, %mul3A_314 : vector<1x6400xf32>
    %mul3A_475 = arith.mulf %mul3A_245, %mul3A_315 : vector<1x6400xf32>
    %mul3A_476 = arith.mulf %mul3A_245, %mul3A_316 : vector<1x6400xf32>
    %mul3A_477 = arith.mulf %mul3A_245, %mul3A_317 : vector<1x6400xf32>
    %mul3A_478 = arith.mulf %mul3A_245, %mul3A_318 : vector<1x6400xf32>
    %mul3A_479 = arith.mulf %mul3A_280, %broadcast_in_dim3A_282 : vector<1x6400xf32>
    %mul3A_480 = arith.mulf %mul3A_280, %mul3A_18 : vector<1x6400xf32>
    %mul3A_481 = arith.mulf %mul3A_280, %mul3A_19 : vector<1x6400xf32>
    %mul3A_482 = arith.mulf %mul3A_280, %mul3A_20 : vector<1x6400xf32>
    %mul3A_483 = arith.mulf %mul3A_280, %mul3A_283 : vector<1x6400xf32>
    %mul3A_484 = arith.mulf %mul3A_280, %mul3A_284 : vector<1x6400xf32>
    %mul3A_485 = arith.mulf %mul3A_280, %mul3A_285 : vector<1x6400xf32>
    %mul3A_486 = arith.mulf %mul3A_280, %mul3A_286 : vector<1x6400xf32>
    %mul3A_487 = arith.mulf %mul3A_280, %mul3A_287 : vector<1x6400xf32>
    %mul3A_488 = arith.mulf %mul3A_280, %mul3A_288 : vector<1x6400xf32>
    %mul3A_489 = arith.mulf %mul3A_280, %mul3A_289 : vector<1x6400xf32>
    %mul3A_490 = arith.mulf %mul3A_280, %mul3A_290 : vector<1x6400xf32>
    %mul3A_491 = arith.mulf %mul3A_280, %mul3A_291 : vector<1x6400xf32>
    %mul3A_492 = arith.mulf %mul3A_280, %mul3A_292 : vector<1x6400xf32>
    %mul3A_493 = arith.mulf %mul3A_280, %mul3A_293 : vector<1x6400xf32>
    %mul3A_494 = arith.mulf %mul3A_280, %mul3A_294 : vector<1x6400xf32>
    %mul3A_495 = arith.mulf %mul3A_280, %mul3A_295 : vector<1x6400xf32>
    %mul3A_496 = arith.mulf %mul3A_280, %mul3A_296 : vector<1x6400xf32>
    %mul3A_497 = arith.mulf %mul3A_280, %mul3A_297 : vector<1x6400xf32>
    %mul3A_498 = arith.mulf %mul3A_280, %mul3A_298 : vector<1x6400xf32>
    %mul3A_499 = arith.mulf %mul3A_280, %mul3A_299 : vector<1x6400xf32>
    %mul3A_500 = arith.mulf %mul3A_280, %mul3A_300 : vector<1x6400xf32>
    %mul3A_501 = arith.mulf %mul3A_280, %mul3A_301 : vector<1x6400xf32>
    %mul3A_502 = arith.mulf %mul3A_280, %mul3A_302 : vector<1x6400xf32>
    %mul3A_503 = arith.mulf %mul3A_280, %mul3A_303 : vector<1x6400xf32>
    %mul3A_504 = arith.mulf %mul3A_280, %mul3A_304 : vector<1x6400xf32>
    %mul3A_505 = arith.mulf %mul3A_280, %mul3A_305 : vector<1x6400xf32>
    %mul3A_506 = arith.mulf %mul3A_280, %mul3A_306 : vector<1x6400xf32>
    %mul3A_507 = arith.mulf %mul3A_280, %mul3A_307 : vector<1x6400xf32>
    %mul3A_508 = arith.mulf %mul3A_280, %mul3A_308 : vector<1x6400xf32>
    %mul3A_509 = arith.mulf %mul3A_280, %mul3A_309 : vector<1x6400xf32>
    %mul3A_510 = arith.mulf %mul3A_280, %mul3A_310 : vector<1x6400xf32>
    %mul3A_511 = arith.mulf %mul3A_280, %mul3A_311 : vector<1x6400xf32>
    %mul3A_512 = arith.mulf %mul3A_280, %mul3A_312 : vector<1x6400xf32>
    %mul3A_513 = arith.mulf %mul3A_280, %mul3A_313 : vector<1x6400xf32>
    %mul3A_514 = arith.mulf %mul3A_280, %mul3A_314 : vector<1x6400xf32>
    %mul3A_515 = arith.mulf %mul3A_280, %mul3A_315 : vector<1x6400xf32>
    %mul3A_516 = arith.mulf %mul3A_280, %mul3A_316 : vector<1x6400xf32>
    %mul3A_517 = arith.mulf %mul3A_280, %mul3A_317 : vector<1x6400xf32>
    %mul3A_518 = arith.mulf %mul3A_280, %mul3A_318 : vector<1x6400xf32>
    %broadcast_in_dim3A_519 = arith.constant 0.000000e+00 : f32
    %broadcast_in_dim3A_520 = vector.broadcast %broadcast_in_dim3A_519 : f32 to vector<56x6400xf32>
    %concatenate3A = tpu.concatenate %mul3A_319, %mul3A_320, %mul3A_321, %mul3A_322, %mul3A_323, %mul3A_324, %mul3A_325, %mul3A_326, %mul3A_327, %mul3A_328, %mul3A_329, %mul3A_330, %mul3A_331, %mul3A_332, %mul3A_333, %mul3A_334, %mul3A_335, %mul3A_336, %mul3A_337, %mul3A_338, %mul3A_339, %mul3A_340, %mul3A_341, %mul3A_342, %mul3A_343, %mul3A_344, %mul3A_345, %mul3A_346, %mul3A_347, %mul3A_348, %mul3A_349, %mul3A_350, %mul3A_351, %mul3A_352, %mul3A_353, %mul3A_354, %mul3A_355, %mul3A_356, %mul3A_357, %mul3A_358, %mul3A_359, %mul3A_360, %mul3A_361, %mul3A_362, %mul3A_363, %mul3A_364, %mul3A_365, %mul3A_366, %mul3A_367, %mul3A_368, %mul3A_369, %mul3A_370, %mul3A_371, %mul3A_372, %mul3A_373, %mul3A_374, %mul3A_375, %mul3A_376, %mul3A_377, %mul3A_378, %mul3A_379, %mul3A_380, %mul3A_381, %mul3A_382, %mul3A_383, %mul3A_384, %mul3A_385, %mul3A_386, %mul3A_387, %mul3A_388, %mul3A_389, %mul3A_390, %mul3A_391, %mul3A_392, %mul3A_393, %mul3A_394, %mul3A_395, %mul3A_396, %mul3A_397, %mul3A_398, %mul3A_399, %mul3A_400, %mul3A_401, %mul3A_402, %mul3A_403, %mul3A_404, %mul3A_405, %mul3A_406, %mul3A_407, %mul3A_408, %mul3A_409, %mul3A_410, %mul3A_411, %mul3A_412, %mul3A_413, %mul3A_414, %mul3A_415, %mul3A_416, %mul3A_417, %mul3A_418, %mul3A_419, %mul3A_420, %mul3A_421, %mul3A_422, %mul3A_423, %mul3A_424, %mul3A_425, %mul3A_426, %mul3A_427, %mul3A_428, %mul3A_429, %mul3A_430, %mul3A_431, %mul3A_432, %mul3A_433, %mul3A_434, %mul3A_435, %mul3A_436, %mul3A_437, %mul3A_438, %mul3A_439, %mul3A_440, %mul3A_441, %mul3A_442, %mul3A_443, %mul3A_444, %mul3A_445, %mul3A_446, %mul3A_447, %mul3A_448, %mul3A_449, %mul3A_450, %mul3A_451, %mul3A_452, %mul3A_453, %mul3A_454, %mul3A_455, %mul3A_456, %mul3A_457, %mul3A_458, %mul3A_459, %mul3A_460, %mul3A_461, %mul3A_462, %mul3A_463, %mul3A_464, %mul3A_465, %mul3A_466, %mul3A_467, %mul3A_468, %mul3A_469, %mul3A_470, %mul3A_471, %mul3A_472, %mul3A_473, %mul3A_474, %mul3A_475, %mul3A_476, %mul3A_477, %mul3A_478, %mul3A_479, %mul3A_480, %mul3A_481, %mul3A_482, %mul3A_483, %mul3A_484, %mul3A_485, %mul3A_486, %mul3A_487, %mul3A_488, %mul3A_489, %mul3A_490, %mul3A_491, %mul3A_492, %mul3A_493, %mul3A_494, %mul3A_495, %mul3A_496, %mul3A_497, %mul3A_498, %mul3A_499, %mul3A_500, %mul3A_501, %mul3A_502, %mul3A_503, %mul3A_504, %mul3A_505, %mul3A_506, %mul3A_507, %mul3A_508, %mul3A_509, %mul3A_510, %mul3A_511, %mul3A_512, %mul3A_513, %mul3A_514, %mul3A_515, %mul3A_516, %mul3A_517, %mul3A_518, %broadcast_in_dim3A_520 in 0 : vector<1x6400xf32>, vector<1x6400xf32>, vector<1x6400xf32>, vector<1x6400xf32>, vector<1x6400xf32>, vector<1x6400xf32>, vector<1x6400xf32>, vector<1x6400xf32>, vector<1x6400xf32>, vector<1x6400xf32>, vector<1x6400xf32>, vector<1x6400xf32>, vector<1x6400xf32>, vector<1x6400xf32>, vector<1x6400xf32>, vector<1x6400xf32>, vector<1x6400xf32>, vector<1x6400xf32>, vector<1x6400xf32>, vector<1x6400xf32>, vector<1x6400xf32>, vector<1x6400xf32>, vector<1x6400xf32>, vector<1x6400xf32>, vector<1x6400xf32>, vector<1x6400xf32>, vector<1x6400xf32>, vector<1x6400xf32>, vector<1x6400xf32>, vector<1x6400xf32>, vector<1x6400xf32>, vector<1x6400xf32>, vector<1x6400xf32>, vector<1x6400xf32>, vector<1x6400xf32>, vector<1x6400xf32>, vector<1x6400xf32>, vector<1x6400xf32>, vector<1x6400xf32>, vector<1x6400xf32>, vector<1x6400xf32>, vector<1x6400xf32>, vector<1x6400xf32>, vector<1x6400xf32>, vector<1x6400xf32>, vector<1x6400xf32>, vector<1x6400xf32>, vector<1x6400xf32>, vector<1x6400xf32>, vector<1x6400xf32>, vector<1x6400xf32>, vector<1x6400xf32>, vector<1x6400xf32>, vector<1x6400xf32>, vector<1x6400xf32>, vector<1x6400xf32>, vector<1x6400xf32>, vector<1x6400xf32>, vector<1x6400xf32>, vector<1x6400xf32>, vector<1x6400xf32>, vector<1x6400xf32>, vector<1x6400xf32>, vector<1x6400xf32>, vector<1x6400xf32>, vector<1x6400xf32>, vector<1x6400xf32>, vector<1x6400xf32>, vector<1x6400xf32>, vector<1x6400xf32>, vector<1x6400xf32>, vector<1x6400xf32>, vector<1x6400xf32>, vector<1x6400xf32>, vector<1x6400xf32>, vector<1x6400xf32>, vector<1x6400xf32>, vector<1x6400xf32>, vector<1x6400xf32>, vector<1x6400xf32>, vector<1x6400xf32>, vector<1x6400xf32>, vector<1x6400xf32>, vector<1x6400xf32>, vector<1x6400xf32>, vector<1x6400xf32>, vector<1x6400xf32>, vector<1x6400xf32>, vector<1x6400xf32>, vector<1x6400xf32>, vector<1x6400xf32>, vector<1x6400xf32>, vector<1x6400xf32>, vector<1x6400xf32>, vector<1x6400xf32>, vector<1x6400xf32>, vector<1x6400xf32>, vector<1x6400xf32>, vector<1x6400xf32>, vector<1x6400xf32>, vector<1x6400xf32>, vector<1x6400xf32>, vector<1x6400xf32>, vector<1x6400xf32>, vector<1x6400xf32>, vector<1x6400xf32>, vector<1x6400xf32>, vector<1x6400xf32>, vector<1x6400xf32>, vector<1x6400xf32>, vector<1x6400xf32>, vector<1x6400xf32>, vector<1x6400xf32>, vector<1x6400xf32>, vector<1x6400xf32>, vector<1x6400xf32>, vector<1x6400xf32>, vector<1x6400xf32>, vector<1x6400xf32>, vector<1x6400xf32>, vector<1x6400xf32>, vector<1x6400xf32>, vector<1x6400xf32>, vector<1x6400xf32>, vector<1x6400xf32>, vector<1x6400xf32>, vector<1x6400xf32>, vector<1x6400xf32>, vector<1x6400xf32>, vector<1x6400xf32>, vector<1x6400xf32>, vector<1x6400xf32>, vector<1x6400xf32>, vector<1x6400xf32>, vector<1x6400xf32>, vector<1x6400xf32>, vector<1x6400xf32>, vector<1x6400xf32>, vector<1x6400xf32>, vector<1x6400xf32>, vector<1x6400xf32>, vector<1x6400xf32>, vector<1x6400xf32>, vector<1x6400xf32>, vector<1x6400xf32>, vector<1x6400xf32>, vector<1x6400xf32>, vector<1x6400xf32>, vector<1x6400xf32>, vector<1x6400xf32>, vector<1x6400xf32>, vector<1x6400xf32>, vector<1x6400xf32>, vector<1x6400xf32>, vector<1x6400xf32>, vector<1x6400xf32>, vector<1x6400xf32>, vector<1x6400xf32>, vector<1x6400xf32>, vector<1x6400xf32>, vector<1x6400xf32>, vector<1x6400xf32>, vector<1x6400xf32>, vector<1x6400xf32>, vector<1x6400xf32>, vector<1x6400xf32>, vector<1x6400xf32>, vector<1x6400xf32>, vector<1x6400xf32>, vector<1x6400xf32>, vector<1x6400xf32>, vector<1x6400xf32>, vector<1x6400xf32>, vector<1x6400xf32>, vector<1x6400xf32>, vector<1x6400xf32>, vector<1x6400xf32>, vector<1x6400xf32>, vector<1x6400xf32>, vector<1x6400xf32>, vector<1x6400xf32>, vector<1x6400xf32>, vector<1x6400xf32>, vector<1x6400xf32>, vector<1x6400xf32>, vector<1x6400xf32>, vector<1x6400xf32>, vector<1x6400xf32>, vector<1x6400xf32>, vector<1x6400xf32>, vector<1x6400xf32>, vector<1x6400xf32>, vector<1x6400xf32>, vector<1x6400xf32>, vector<1x6400xf32>, vector<1x6400xf32>, vector<1x6400xf32>, vector<1x6400xf32>, vector<1x6400xf32>, vector<1x6400xf32>, vector<56x6400xf32> -> vector<256x6400xf32>
    %transpose3A = tpu.transpose %concatenate3A, [1, 0] : vector<256x6400xf32> -> vector<6400x256xf32>
    %swap3A = arith.constant 0 : index
    %swap3A_521 = arith.constant 0 : index
    %swap3A_522 = vector.load %arg5[%swap3A, %swap3A_521] : memref<6400x256xf32, #tpu.memory_space<vmem>>, vector<6400x256xf32>
    tpu.vector_store %arg5[%swap3A, %swap3A_521], %transpose3A {strides = array<i32>} : memref<6400x256xf32, #tpu.memory_space<vmem>>, vector<6400x256xf32>,
    %scan3A = arith.constant 0 : i32
    %scan3A_523 = arith.constant 3200 : i32
    %scan3A_524 = arith.addi %scan3A, %scan3A_523 : i32
    %scan3A_525 = arith.constant 8 : i32
    scf.for %scan3A_532 = %scan3A to %scan3A_524 step %scan3A_525  : i32 {
      %mul3A_533 = arith.constant 2 : i32
      %mul3A_534 = arith.muli %mul3A_533, %scan3A_532 : i32
      %get3A_535 = arith.constant 0 : index
      %get3A_536 = arith.constant 0 : index
      %get3A_537 = arith.index_cast %mul3A_534 : i32 to index
      %get3A_538 = memref.load %arg1[%get3A_535, %get3A_536, %get3A_537] : memref<1x1x6400xi32, #tpu.memory_space<smem>>
      %mul3A_539 = arith.constant 2 : i32
      %mul3A_540 = arith.muli %mul3A_539, %scan3A_532 : i32
      %add3A_541 = arith.constant 1 : i32
      %add3A_542 = arith.addi %mul3A_540, %add3A_541 : i32
      %get3A_543 = arith.constant 0 : index
      %get3A_544 = arith.constant 0 : index
      %get3A_545 = arith.index_cast %add3A_542 : i32 to index
      %get3A_546 = memref.load %arg1[%get3A_543, %get3A_544, %get3A_545] : memref<1x1x6400xi32, #tpu.memory_space<smem>>
      %add3A_547 = arith.constant 10000 : i32
      %add3A_548 = arith.addi %get3A_546, %add3A_547 : i32
      %get3A_549 = arith.index_cast %get3A_538 : i32 to index
      %get3A_550 = arith.constant 0 : index
      %get3A_551 = vector.load %arg6[%get3A_549, %get3A_550] : memref<20000x256xf32, #tpu.memory_space<vmem>>, vector<1x256xf32>
      %mul3A_552 = arith.constant 2 : i32
      %mul3A_553 = arith.muli %mul3A_552, %scan3A_532 : i32
      %get3A_554 = arith.index_cast %mul3A_553 : i32 to index
      %get3A_555 = arith.constant 0 : index
      %get3A_556 = vector.load %arg5[%get3A_554, %get3A_555] : memref<6400x256xf32, #tpu.memory_space<vmem>>, vector<1x256xf32>
      %add3A_557 = arith.addf %get3A_551, %get3A_556 : vector<1x256xf32>
      %swap3A_558 = arith.index_cast %get3A_538 : i32 to index
      %swap3A_559 = arith.constant 0 : index
      %swap3A_560 = vector.load %arg6[%swap3A_558, %swap3A_559] : memref<20000x256xf32, #tpu.memory_space<vmem>>, vector<1x256xf32>
      tpu.vector_store %arg6[%swap3A_558, %swap3A_559], %add3A_557 {strides = array<i32>} : memref<20000x256xf32, #tpu.memory_space<vmem>>, vector<1x256xf32>,
      %get3A_561 = arith.index_cast %add3A_548 : i32 to index
      %get3A_562 = arith.constant 0 : index
      %get3A_563 = vector.load %arg6[%get3A_561, %get3A_562] : memref<20000x256xf32, #tpu.memory_space<vmem>>, vector<1x256xf32>
      %mul3A_564 = arith.constant 2 : i32
      %mul3A_565 = arith.muli %mul3A_564, %scan3A_532 : i32
      %add3A_566 = arith.constant 1 : i32
      %add3A_567 = arith.addi %mul3A_565, %add3A_566 : i32
      %get3A_568 = arith.index_cast %add3A_567 : i32 to index
      %get3A_569 = arith.constant 0 : index
      %get3A_570 = vector.load %arg5[%get3A_568, %get3A_569] : memref<6400x256xf32, #tpu.memory_space<vmem>>, vector<1x256xf32>
      %add3A_571 = arith.addf %get3A_563, %get3A_570 : vector<1x256xf32>
      %swap3A_572 = arith.index_cast %add3A_548 : i32 to index
      %swap3A_573 = arith.constant 0 : index
      %swap3A_574 = vector.load %arg6[%swap3A_572, %swap3A_573] : memref<20000x256xf32, #tpu.memory_space<vmem>>, vector<1x256xf32>
      tpu.vector_store %arg6[%swap3A_572, %swap3A_573], %add3A_571 {strides = array<i32>} : memref<20000x256xf32, #tpu.memory_space<vmem>>, vector<1x256xf32>,
      %scan3A_575 = arith.constant 1 : i32
      %scan3A_576 = arith.addi %scan3A_532, %scan3A_575 : i32
      %mul3A_577 = arith.constant 2 : i32
      %mul3A_578 = arith.muli %mul3A_577, %scan3A_576 : i32
      %get3A_579 = arith.constant 0 : index
      %get3A_580 = arith.constant 0 : index
      %get3A_581 = arith.index_cast %mul3A_578 : i32 to index
      %get3A_582 = memref.load %arg1[%get3A_579, %get3A_580, %get3A_581] : memref<1x1x6400xi32, #tpu.memory_space<smem>>
      %mul3A_583 = arith.constant 2 : i32
      %mul3A_584 = arith.muli %mul3A_583, %scan3A_576 : i32
      %add3A_585 = arith.constant 1 : i32
      %add3A_586 = arith.addi %mul3A_584, %add3A_585 : i32
      %get3A_587 = arith.constant 0 : index
      %get3A_588 = arith.constant 0 : index
      %get3A_589 = arith.index_cast %add3A_586 : i32 to index
      %get3A_590 = memref.load %arg1[%get3A_587, %get3A_588, %get3A_589] : memref<1x1x6400xi32, #tpu.memory_space<smem>>
      %add3A_591 = arith.constant 10000 : i32
      %add3A_592 = arith.addi %get3A_590, %add3A_591 : i32
      %get3A_593 = arith.index_cast %get3A_582 : i32 to index
      %get3A_594 = arith.constant 0 : index
      %get3A_595 = vector.load %arg6[%get3A_593, %get3A_594] : memref<20000x256xf32, #tpu.memory_space<vmem>>, vector<1x256xf32>
      %mul3A_596 = arith.constant 2 : i32
      %mul3A_597 = arith.muli %mul3A_596, %scan3A_576 : i32
      %get3A_598 = arith.index_cast %mul3A_597 : i32 to index
      %get3A_599 = arith.constant 0 : index
      %get3A_600 = vector.load %arg5[%get3A_598, %get3A_599] : memref<6400x256xf32, #tpu.memory_space<vmem>>, vector<1x256xf32>
      %add3A_601 = arith.addf %get3A_595, %get3A_600 : vector<1x256xf32>
      %swap3A_602 = arith.index_cast %get3A_582 : i32 to index
      %swap3A_603 = arith.constant 0 : index
      %swap3A_604 = vector.load %arg6[%swap3A_602, %swap3A_603] : memref<20000x256xf32, #tpu.memory_space<vmem>>, vector<1x256xf32>
      tpu.vector_store %arg6[%swap3A_602, %swap3A_603], %add3A_601 {strides = array<i32>} : memref<20000x256xf32, #tpu.memory_space<vmem>>, vector<1x256xf32>,
      %get3A_605 = arith.index_cast %add3A_592 : i32 to index
      %get3A_606 = arith.constant 0 : index
      %get3A_607 = vector.load %arg6[%get3A_605, %get3A_606] : memref<20000x256xf32, #tpu.memory_space<vmem>>, vector<1x256xf32>
      %mul3A_608 = arith.constant 2 : i32
      %mul3A_609 = arith.muli %mul3A_608, %scan3A_576 : i32
      %add3A_610 = arith.constant 1 : i32
      %add3A_611 = arith.addi %mul3A_609, %add3A_610 : i32
      %get3A_612 = arith.index_cast %add3A_611 : i32 to index
      %get3A_613 = arith.constant 0 : index
      %get3A_614 = vector.load %arg5[%get3A_612, %get3A_613] : memref<6400x256xf32, #tpu.memory_space<vmem>>, vector<1x256xf32>
      %add3A_615 = arith.addf %get3A_607, %get3A_614 : vector<1x256xf32>
      %swap3A_616 = arith.index_cast %add3A_592 : i32 to index
      %swap3A_617 = arith.constant 0 : index
      %swap3A_618 = vector.load %arg6[%swap3A_616, %swap3A_617] : memref<20000x256xf32, #tpu.memory_space<vmem>>, vector<1x256xf32>
      tpu.vector_store %arg6[%swap3A_616, %swap3A_617], %add3A_615 {strides = array<i32>} : memref<20000x256xf32, #tpu.memory_space<vmem>>, vector<1x256xf32>,
      %scan3A_619 = arith.constant 2 : i32
      %scan3A_620 = arith.addi %scan3A_532, %scan3A_619 : i32
      %mul3A_621 = arith.constant 2 : i32
      %mul3A_622 = arith.muli %mul3A_621, %scan3A_620 : i32
      %get3A_623 = arith.constant 0 : index
      %get3A_624 = arith.constant 0 : index
      %get3A_625 = arith.index_cast %mul3A_622 : i32 to index
      %get3A_626 = memref.load %arg1[%get3A_623, %get3A_624, %get3A_625] : memref<1x1x6400xi32, #tpu.memory_space<smem>>
      %mul3A_627 = arith.constant 2 : i32
      %mul3A_628 = arith.muli %mul3A_627, %scan3A_620 : i32
      %add3A_629 = arith.constant 1 : i32
      %add3A_630 = arith.addi %mul3A_628, %add3A_629 : i32
      %get3A_631 = arith.constant 0 : index
      %get3A_632 = arith.constant 0 : index
      %get3A_633 = arith.index_cast %add3A_630 : i32 to index
      %get3A_634 = memref.load %arg1[%get3A_631, %get3A_632, %get3A_633] : memref<1x1x6400xi32, #tpu.memory_space<smem>>
      %add3A_635 = arith.constant 10000 : i32
      %add3A_636 = arith.addi %get3A_634, %add3A_635 : i32
      %get3A_637 = arith.index_cast %get3A_626 : i32 to index
      %get3A_638 = arith.constant 0 : index
      %get3A_639 = vector.load %arg6[%get3A_637, %get3A_638] : memref<20000x256xf32, #tpu.memory_space<vmem>>, vector<1x256xf32>
      %mul3A_640 = arith.constant 2 : i32
      %mul3A_641 = arith.muli %mul3A_640, %scan3A_620 : i32
      %get3A_642 = arith.index_cast %mul3A_641 : i32 to index
      %get3A_643 = arith.constant 0 : index
      %get3A_644 = vector.load %arg5[%get3A_642, %get3A_643] : memref<6400x256xf32, #tpu.memory_space<vmem>>, vector<1x256xf32>
      %add3A_645 = arith.addf %get3A_639, %get3A_644 : vector<1x256xf32>
      %swap3A_646 = arith.index_cast %get3A_626 : i32 to index
      %swap3A_647 = arith.constant 0 : index
      %swap3A_648 = vector.load %arg6[%swap3A_646, %swap3A_647] : memref<20000x256xf32, #tpu.memory_space<vmem>>, vector<1x256xf32>
      tpu.vector_store %arg6[%swap3A_646, %swap3A_647], %add3A_645 {strides = array<i32>} : memref<20000x256xf32, #tpu.memory_space<vmem>>, vector<1x256xf32>,
      %get3A_649 = arith.index_cast %add3A_636 : i32 to index
      %get3A_650 = arith.constant 0 : index
      %get3A_651 = vector.load %arg6[%get3A_649, %get3A_650] : memref<20000x256xf32, #tpu.memory_space<vmem>>, vector<1x256xf32>
      %mul3A_652 = arith.constant 2 : i32
      %mul3A_653 = arith.muli %mul3A_652, %scan3A_620 : i32
      %add3A_654 = arith.constant 1 : i32
      %add3A_655 = arith.addi %mul3A_653, %add3A_654 : i32
      %get3A_656 = arith.index_cast %add3A_655 : i32 to index
      %get3A_657 = arith.constant 0 : index
      %get3A_658 = vector.load %arg5[%get3A_656, %get3A_657] : memref<6400x256xf32, #tpu.memory_space<vmem>>, vector<1x256xf32>
      %add3A_659 = arith.addf %get3A_651, %get3A_658 : vector<1x256xf32>
      %swap3A_660 = arith.index_cast %add3A_636 : i32 to index
      %swap3A_661 = arith.constant 0 : index
      %swap3A_662 = vector.load %arg6[%swap3A_660, %swap3A_661] : memref<20000x256xf32, #tpu.memory_space<vmem>>, vector<1x256xf32>
      tpu.vector_store %arg6[%swap3A_660, %swap3A_661], %add3A_659 {strides = array<i32>} : memref<20000x256xf32, #tpu.memory_space<vmem>>, vector<1x256xf32>,
      %scan3A_663 = arith.constant 3 : i32
      %scan3A_664 = arith.addi %scan3A_532, %scan3A_663 : i32
      %mul3A_665 = arith.constant 2 : i32
      %mul3A_666 = arith.muli %mul3A_665, %scan3A_664 : i32
      %get3A_667 = arith.constant 0 : index
      %get3A_668 = arith.constant 0 : index
      %get3A_669 = arith.index_cast %mul3A_666 : i32 to index
      %get3A_670 = memref.load %arg1[%get3A_667, %get3A_668, %get3A_669] : memref<1x1x6400xi32, #tpu.memory_space<smem>>
      %mul3A_671 = arith.constant 2 : i32
      %mul3A_672 = arith.muli %mul3A_671, %scan3A_664 : i32
      %add3A_673 = arith.constant 1 : i32
      %add3A_674 = arith.addi %mul3A_672, %add3A_673 : i32
      %get3A_675 = arith.constant 0 : index
      %get3A_676 = arith.constant 0 : index
      %get3A_677 = arith.index_cast %add3A_674 : i32 to index
      %get3A_678 = memref.load %arg1[%get3A_675, %get3A_676, %get3A_677] : memref<1x1x6400xi32, #tpu.memory_space<smem>>
      %add3A_679 = arith.constant 10000 : i32
      %add3A_680 = arith.addi %get3A_678, %add3A_679 : i32
      %get3A_681 = arith.index_cast %get3A_670 : i32 to index
      %get3A_682 = arith.constant 0 : index
      %get3A_683 = vector.load %arg6[%get3A_681, %get3A_682] : memref<20000x256xf32, #tpu.memory_space<vmem>>, vector<1x256xf32>
      %mul3A_684 = arith.constant 2 : i32
      %mul3A_685 = arith.muli %mul3A_684, %scan3A_664 : i32
      %get3A_686 = arith.index_cast %mul3A_685 : i32 to index
      %get3A_687 = arith.constant 0 : index
      %get3A_688 = vector.load %arg5[%get3A_686, %get3A_687] : memref<6400x256xf32, #tpu.memory_space<vmem>>, vector<1x256xf32>
      %add3A_689 = arith.addf %get3A_683, %get3A_688 : vector<1x256xf32>
      %swap3A_690 = arith.index_cast %get3A_670 : i32 to index
      %swap3A_691 = arith.constant 0 : index
      %swap3A_692 = vector.load %arg6[%swap3A_690, %swap3A_691] : memref<20000x256xf32, #tpu.memory_space<vmem>>, vector<1x256xf32>
      tpu.vector_store %arg6[%swap3A_690, %swap3A_691], %add3A_689 {strides = array<i32>} : memref<20000x256xf32, #tpu.memory_space<vmem>>, vector<1x256xf32>,
      %get3A_693 = arith.index_cast %add3A_680 : i32 to index
      %get3A_694 = arith.constant 0 : index
      %get3A_695 = vector.load %arg6[%get3A_693, %get3A_694] : memref<20000x256xf32, #tpu.memory_space<vmem>>, vector<1x256xf32>
      %mul3A_696 = arith.constant 2 : i32
      %mul3A_697 = arith.muli %mul3A_696, %scan3A_664 : i32
      %add3A_698 = arith.constant 1 : i32
      %add3A_699 = arith.addi %mul3A_697, %add3A_698 : i32
      %get3A_700 = arith.index_cast %add3A_699 : i32 to index
      %get3A_701 = arith.constant 0 : index
      %get3A_702 = vector.load %arg5[%get3A_700, %get3A_701] : memref<6400x256xf32, #tpu.memory_space<vmem>>, vector<1x256xf32>
      %add3A_703 = arith.addf %get3A_695, %get3A_702 : vector<1x256xf32>
      %swap3A_704 = arith.index_cast %add3A_680 : i32 to index
      %swap3A_705 = arith.constant 0 : index
      %swap3A_706 = vector.load %arg6[%swap3A_704, %swap3A_705] : memref<20000x256xf32, #tpu.memory_space<vmem>>, vector<1x256xf32>
      tpu.vector_store %arg6[%swap3A_704, %swap3A_705], %add3A_703 {strides = array<i32>} : memref<20000x256xf32, #tpu.memory_space<vmem>>, vector<1x256xf32>,
      %scan3A_707 = arith.constant 4 : i32
      %scan3A_708 = arith.addi %scan3A_532, %scan3A_707 : i32
      %mul3A_709 = arith.constant 2 : i32
      %mul3A_710 = arith.muli %mul3A_709, %scan3A_708 : i32
      %get3A_711 = arith.constant 0 : index
      %get3A_712 = arith.constant 0 : index
      %get3A_713 = arith.index_cast %mul3A_710 : i32 to index
      %get3A_714 = memref.load %arg1[%get3A_711, %get3A_712, %get3A_713] : memref<1x1x6400xi32, #tpu.memory_space<smem>>
      %mul3A_715 = arith.constant 2 : i32
      %mul3A_716 = arith.muli %mul3A_715, %scan3A_708 : i32
      %add3A_717 = arith.constant 1 : i32
      %add3A_718 = arith.addi %mul3A_716, %add3A_717 : i32
      %get3A_719 = arith.constant 0 : index
      %get3A_720 = arith.constant 0 : index
      %get3A_721 = arith.index_cast %add3A_718 : i32 to index
      %get3A_722 = memref.load %arg1[%get3A_719, %get3A_720, %get3A_721] : memref<1x1x6400xi32, #tpu.memory_space<smem>>
      %add3A_723 = arith.constant 10000 : i32
      %add3A_724 = arith.addi %get3A_722, %add3A_723 : i32
      %get3A_725 = arith.index_cast %get3A_714 : i32 to index
      %get3A_726 = arith.constant 0 : index
      %get3A_727 = vector.load %arg6[%get3A_725, %get3A_726] : memref<20000x256xf32, #tpu.memory_space<vmem>>, vector<1x256xf32>
      %mul3A_728 = arith.constant 2 : i32
      %mul3A_729 = arith.muli %mul3A_728, %scan3A_708 : i32
      %get3A_730 = arith.index_cast %mul3A_729 : i32 to index
      %get3A_731 = arith.constant 0 : index
      %get3A_732 = vector.load %arg5[%get3A_730, %get3A_731] : memref<6400x256xf32, #tpu.memory_space<vmem>>, vector<1x256xf32>
      %add3A_733 = arith.addf %get3A_727, %get3A_732 : vector<1x256xf32>
      %swap3A_734 = arith.index_cast %get3A_714 : i32 to index
      %swap3A_735 = arith.constant 0 : index
      %swap3A_736 = vector.load %arg6[%swap3A_734, %swap3A_735] : memref<20000x256xf32, #tpu.memory_space<vmem>>, vector<1x256xf32>
      tpu.vector_store %arg6[%swap3A_734, %swap3A_735], %add3A_733 {strides = array<i32>} : memref<20000x256xf32, #tpu.memory_space<vmem>>, vector<1x256xf32>,
      %get3A_737 = arith.index_cast %add3A_724 : i32 to index
      %get3A_738 = arith.constant 0 : index
      %get3A_739 = vector.load %arg6[%get3A_737, %get3A_738] : memref<20000x256xf32, #tpu.memory_space<vmem>>, vector<1x256xf32>
      %mul3A_740 = arith.constant 2 : i32
      %mul3A_741 = arith.muli %mul3A_740, %scan3A_708 : i32
      %add3A_742 = arith.constant 1 : i32
      %add3A_743 = arith.addi %mul3A_741, %add3A_742 : i32
      %get3A_744 = arith.index_cast %add3A_743 : i32 to index
      %get3A_745 = arith.constant 0 : index
      %get3A_746 = vector.load %arg5[%get3A_744, %get3A_745] : memref<6400x256xf32, #tpu.memory_space<vmem>>, vector<1x256xf32>
      %add3A_747 = arith.addf %get3A_739, %get3A_746 : vector<1x256xf32>
      %swap3A_748 = arith.index_cast %add3A_724 : i32 to index
      %swap3A_749 = arith.constant 0 : index
      %swap3A_750 = vector.load %arg6[%swap3A_748, %swap3A_749] : memref<20000x256xf32, #tpu.memory_space<vmem>>, vector<1x256xf32>
      tpu.vector_store %arg6[%swap3A_748, %swap3A_749], %add3A_747 {strides = array<i32>} : memref<20000x256xf32, #tpu.memory_space<vmem>>, vector<1x256xf32>,
      %scan3A_751 = arith.constant 5 : i32
      %scan3A_752 = arith.addi %scan3A_532, %scan3A_751 : i32
      %mul3A_753 = arith.constant 2 : i32
      %mul3A_754 = arith.muli %mul3A_753, %scan3A_752 : i32
      %get3A_755 = arith.constant 0 : index
      %get3A_756 = arith.constant 0 : index
      %get3A_757 = arith.index_cast %mul3A_754 : i32 to index
      %get3A_758 = memref.load %arg1[%get3A_755, %get3A_756, %get3A_757] : memref<1x1x6400xi32, #tpu.memory_space<smem>>
      %mul3A_759 = arith.constant 2 : i32
      %mul3A_760 = arith.muli %mul3A_759, %scan3A_752 : i32
      %add3A_761 = arith.constant 1 : i32
      %add3A_762 = arith.addi %mul3A_760, %add3A_761 : i32
      %get3A_763 = arith.constant 0 : index
      %get3A_764 = arith.constant 0 : index
      %get3A_765 = arith.index_cast %add3A_762 : i32 to index
      %get3A_766 = memref.load %arg1[%get3A_763, %get3A_764, %get3A_765] : memref<1x1x6400xi32, #tpu.memory_space<smem>>
      %add3A_767 = arith.constant 10000 : i32
      %add3A_768 = arith.addi %get3A_766, %add3A_767 : i32
      %get3A_769 = arith.index_cast %get3A_758 : i32 to index
      %get3A_770 = arith.constant 0 : index
      %get3A_771 = vector.load %arg6[%get3A_769, %get3A_770] : memref<20000x256xf32, #tpu.memory_space<vmem>>, vector<1x256xf32>
      %mul3A_772 = arith.constant 2 : i32
      %mul3A_773 = arith.muli %mul3A_772, %scan3A_752 : i32
      %get3A_774 = arith.index_cast %mul3A_773 : i32 to index
      %get3A_775 = arith.constant 0 : index
      %get3A_776 = vector.load %arg5[%get3A_774, %get3A_775] : memref<6400x256xf32, #tpu.memory_space<vmem>>, vector<1x256xf32>
      %add3A_777 = arith.addf %get3A_771, %get3A_776 : vector<1x256xf32>
      %swap3A_778 = arith.index_cast %get3A_758 : i32 to index
      %swap3A_779 = arith.constant 0 : index
      %swap3A_780 = vector.load %arg6[%swap3A_778, %swap3A_779] : memref<20000x256xf32, #tpu.memory_space<vmem>>, vector<1x256xf32>
      tpu.vector_store %arg6[%swap3A_778, %swap3A_779], %add3A_777 {strides = array<i32>} : memref<20000x256xf32, #tpu.memory_space<vmem>>, vector<1x256xf32>,
      %get3A_781 = arith.index_cast %add3A_768 : i32 to index
      %get3A_782 = arith.constant 0 : index
      %get3A_783 = vector.load %arg6[%get3A_781, %get3A_782] : memref<20000x256xf32, #tpu.memory_space<vmem>>, vector<1x256xf32>
      %mul3A_784 = arith.constant 2 : i32
      %mul3A_785 = arith.muli %mul3A_784, %scan3A_752 : i32
      %add3A_786 = arith.constant 1 : i32
      %add3A_787 = arith.addi %mul3A_785, %add3A_786 : i32
      %get3A_788 = arith.index_cast %add3A_787 : i32 to index
      %get3A_789 = arith.constant 0 : index
      %get3A_790 = vector.load %arg5[%get3A_788, %get3A_789] : memref<6400x256xf32, #tpu.memory_space<vmem>>, vector<1x256xf32>
      %add3A_791 = arith.addf %get3A_783, %get3A_790 : vector<1x256xf32>
      %swap3A_792 = arith.index_cast %add3A_768 : i32 to index
      %swap3A_793 = arith.constant 0 : index
      %swap3A_794 = vector.load %arg6[%swap3A_792, %swap3A_793] : memref<20000x256xf32, #tpu.memory_space<vmem>>, vector<1x256xf32>
      tpu.vector_store %arg6[%swap3A_792, %swap3A_793], %add3A_791 {strides = array<i32>} : memref<20000x256xf32, #tpu.memory_space<vmem>>, vector<1x256xf32>,
      %scan3A_795 = arith.constant 6 : i32
      %scan3A_796 = arith.addi %scan3A_532, %scan3A_795 : i32
      %mul3A_797 = arith.constant 2 : i32
      %mul3A_798 = arith.muli %mul3A_797, %scan3A_796 : i32
      %get3A_799 = arith.constant 0 : index
      %get3A_800 = arith.constant 0 : index
      %get3A_801 = arith.index_cast %mul3A_798 : i32 to index
      %get3A_802 = memref.load %arg1[%get3A_799, %get3A_800, %get3A_801] : memref<1x1x6400xi32, #tpu.memory_space<smem>>
      %mul3A_803 = arith.constant 2 : i32
      %mul3A_804 = arith.muli %mul3A_803, %scan3A_796 : i32
      %add3A_805 = arith.constant 1 : i32
      %add3A_806 = arith.addi %mul3A_804, %add3A_805 : i32
      %get3A_807 = arith.constant 0 : index
      %get3A_808 = arith.constant 0 : index
      %get3A_809 = arith.index_cast %add3A_806 : i32 to index
      %get3A_810 = memref.load %arg1[%get3A_807, %get3A_808, %get3A_809] : memref<1x1x6400xi32, #tpu.memory_space<smem>>
      %add3A_811 = arith.constant 10000 : i32
      %add3A_812 = arith.addi %get3A_810, %add3A_811 : i32
      %get3A_813 = arith.index_cast %get3A_802 : i32 to index
      %get3A_814 = arith.constant 0 : index
      %get3A_815 = vector.load %arg6[%get3A_813, %get3A_814] : memref<20000x256xf32, #tpu.memory_space<vmem>>, vector<1x256xf32>
      %mul3A_816 = arith.constant 2 : i32
      %mul3A_817 = arith.muli %mul3A_816, %scan3A_796 : i32
      %get3A_818 = arith.index_cast %mul3A_817 : i32 to index
      %get3A_819 = arith.constant 0 : index
      %get3A_820 = vector.load %arg5[%get3A_818, %get3A_819] : memref<6400x256xf32, #tpu.memory_space<vmem>>, vector<1x256xf32>
      %add3A_821 = arith.addf %get3A_815, %get3A_820 : vector<1x256xf32>
      %swap3A_822 = arith.index_cast %get3A_802 : i32 to index
      %swap3A_823 = arith.constant 0 : index
      %swap3A_824 = vector.load %arg6[%swap3A_822, %swap3A_823] : memref<20000x256xf32, #tpu.memory_space<vmem>>, vector<1x256xf32>
      tpu.vector_store %arg6[%swap3A_822, %swap3A_823], %add3A_821 {strides = array<i32>} : memref<20000x256xf32, #tpu.memory_space<vmem>>, vector<1x256xf32>,
      %get3A_825 = arith.index_cast %add3A_812 : i32 to index
      %get3A_826 = arith.constant 0 : index
      %get3A_827 = vector.load %arg6[%get3A_825, %get3A_826] : memref<20000x256xf32, #tpu.memory_space<vmem>>, vector<1x256xf32>
      %mul3A_828 = arith.constant 2 : i32
      %mul3A_829 = arith.muli %mul3A_828, %scan3A_796 : i32
      %add3A_830 = arith.constant 1 : i32
      %add3A_831 = arith.addi %mul3A_829, %add3A_830 : i32
      %get3A_832 = arith.index_cast %add3A_831 : i32 to index
      %get3A_833 = arith.constant 0 : index
      %get3A_834 = vector.load %arg5[%get3A_832, %get3A_833] : memref<6400x256xf32, #tpu.memory_space<vmem>>, vector<1x256xf32>
      %add3A_835 = arith.addf %get3A_827, %get3A_834 : vector<1x256xf32>
      %swap3A_836 = arith.index_cast %add3A_812 : i32 to index
      %swap3A_837 = arith.constant 0 : index
      %swap3A_838 = vector.load %arg6[%swap3A_836, %swap3A_837] : memref<20000x256xf32, #tpu.memory_space<vmem>>, vector<1x256xf32>
      tpu.vector_store %arg6[%swap3A_836, %swap3A_837], %add3A_835 {strides = array<i32>} : memref<20000x256xf32, #tpu.memory_space<vmem>>, vector<1x256xf32>,
      %scan3A_839 = arith.constant 7 : i32
      %scan3A_840 = arith.addi %scan3A_532, %scan3A_839 : i32
      %mul3A_841 = arith.constant 2 : i32
      %mul3A_842 = arith.muli %mul3A_841, %scan3A_840 : i32
      %get3A_843 = arith.constant 0 : index
      %get3A_844 = arith.constant 0 : index
      %get3A_845 = arith.index_cast %mul3A_842 : i32 to index
      %get3A_846 = memref.load %arg1[%get3A_843, %get3A_844, %get3A_845] : memref<1x1x6400xi32, #tpu.memory_space<smem>>
      %mul3A_847 = arith.constant 2 : i32
      %mul3A_848 = arith.muli %mul3A_847, %scan3A_840 : i32
      %add3A_849 = arith.constant 1 : i32
      %add3A_850 = arith.addi %mul3A_848, %add3A_849 : i32
      %get3A_851 = arith.constant 0 : index
      %get3A_852 = arith.constant 0 : index
      %get3A_853 = arith.index_cast %add3A_850 : i32 to index
      %get3A_854 = memref.load %arg1[%get3A_851, %get3A_852, %get3A_853] : memref<1x1x6400xi32, #tpu.memory_space<smem>>
      %add3A_855 = arith.constant 10000 : i32
      %add3A_856 = arith.addi %get3A_854, %add3A_855 : i32
      %get3A_857 = arith.index_cast %get3A_846 : i32 to index
      %get3A_858 = arith.constant 0 : index
      %get3A_859 = vector.load %arg6[%get3A_857, %get3A_858] : memref<20000x256xf32, #tpu.memory_space<vmem>>, vector<1x256xf32>
      %mul3A_860 = arith.constant 2 : i32
      %mul3A_861 = arith.muli %mul3A_860, %scan3A_840 : i32
      %get3A_862 = arith.index_cast %mul3A_861 : i32 to index
      %get3A_863 = arith.constant 0 : index
      %get3A_864 = vector.load %arg5[%get3A_862, %get3A_863] : memref<6400x256xf32, #tpu.memory_space<vmem>>, vector<1x256xf32>
      %add3A_865 = arith.addf %get3A_859, %get3A_864 : vector<1x256xf32>
      %swap3A_866 = arith.index_cast %get3A_846 : i32 to index
      %swap3A_867 = arith.constant 0 : index
      %swap3A_868 = vector.load %arg6[%swap3A_866, %swap3A_867] : memref<20000x256xf32, #tpu.memory_space<vmem>>, vector<1x256xf32>
      tpu.vector_store %arg6[%swap3A_866, %swap3A_867], %add3A_865 {strides = array<i32>} : memref<20000x256xf32, #tpu.memory_space<vmem>>, vector<1x256xf32>,
      %get3A_869 = arith.index_cast %add3A_856 : i32 to index
      %get3A_870 = arith.constant 0 : index
      %get3A_871 = vector.load %arg6[%get3A_869, %get3A_870] : memref<20000x256xf32, #tpu.memory_space<vmem>>, vector<1x256xf32>
      %mul3A_872 = arith.constant 2 : i32
      %mul3A_873 = arith.muli %mul3A_872, %scan3A_840 : i32
      %add3A_874 = arith.constant 1 : i32
      %add3A_875 = arith.addi %mul3A_873, %add3A_874 : i32
      %get3A_876 = arith.index_cast %add3A_875 : i32 to index
      %get3A_877 = arith.constant 0 : index
      %get3A_878 = vector.load %arg5[%get3A_876, %get3A_877] : memref<6400x256xf32, #tpu.memory_space<vmem>>, vector<1x256xf32>
      %add3A_879 = arith.addf %get3A_871, %get3A_878 : vector<1x256xf32>
      %swap3A_880 = arith.index_cast %add3A_856 : i32 to index
      %swap3A_881 = arith.constant 0 : index
      %swap3A_882 = vector.load %arg6[%swap3A_880, %swap3A_881] : memref<20000x256xf32, #tpu.memory_space<vmem>>, vector<1x256xf32>
      tpu.vector_store %arg6[%swap3A_880, %swap3A_881], %add3A_879 {strides = array<i32>} : memref<20000x256xf32, #tpu.memory_space<vmem>>, vector<1x256xf32>,
    }
    %scan3A_526 = arith.constant 3200 : i32
    %eq3A_527 = arith.constant 49 : i32
    %eq3A_528 = arith.cmpi eq, %arg0, %eq3A_527 : i32
    %convert_element_type3A_529 = arith.extui %eq3A_528 : i1 to i32
    %cond3A_530 = arith.constant 0 : i32
    %cond3A_531 = arith.cmpi ne, %convert_element_type3A_529, %cond3A_530 : i32
    scf.if %cond3A_531 {
      %get3A_532 = arith.constant 0 : index
      %get3A_533 = arith.constant 0 : index
      %get3A_534 = vector.load %arg6[%get3A_532, %get3A_533] : memref<20000x256xf32, #tpu.memory_space<vmem>>, vector<10000x256xf32>
      %get3A_535 = arith.constant 10000 : index
      %get3A_536 = arith.constant 0 : index
      %get3A_537 = vector.load %arg6[%get3A_535, %get3A_536] : memref<20000x256xf32, #tpu.memory_space<vmem>>, vector<10000x256xf32>
      %add3A_538 = arith.addf %get3A_534, %get3A_537 : vector<10000x256xf32>
      %swap3A_539 = arith.constant 0 : index
      %swap3A_540 = arith.constant 0 : index
      %swap3A_541 = vector.load %arg4[%swap3A_539, %swap3A_540] : memref<10000x256xf32, #tpu.memory_space<vmem>>, vector<10000x256xf32>
      tpu.vector_store %arg4[%swap3A_539, %swap3A_540], %add3A_538 {strides = array<i32>} : memref<10000x256xf32, #tpu.memory_space<vmem>>, vector<10000x256xf32>,
    } else {
    }
    return
  }
  func.func @transform_0(%arg0: i32) -> (i32, i32, i32) {
    %c0_i32 = arith.constant 0 : i32
    %c0_i32_0 = arith.constant 0 : i32
    %c0_i32_1 = arith.constant 0 : i32
    return %arg0, %c0_i32, %c0_i32_0 : i32, i32, i32
  }
  func.func @transform_1(%arg0: i32) -> (i32, i32) {
    %c0_i32 = arith.constant 0 : i32
    %c0_i32_0 = arith.constant 0 : i32
    return %c0_i32, %arg0 : i32, i32
  }
  func.func @transform_2(%arg0: i32) -> (i32, i32) {
    %c0_i32 = arith.constant 0 : i32
    %c0_i32_0 = arith.constant 0 : i32
    return %c0_i32, %arg0 : i32, i32
  }
  func.func @transform_3(%arg0: i32) -> (i32, i32) {
    %c0_i32 = arith.constant 0 : i32
    %c0_i32_0 = arith.constant 0 : i32
    %c0_i32_1 = arith.constant 0 : i32
    return %c0_i32, %c0_i32_0 : i32, i32
  }
}

module attributes {stable_mosaic.version = 14 : i64} {
  func.func @_mlp_kernel(%arg0: i32, %arg1: memref<1000x384xf32, #tpu.memory_space<vmem>>, %arg2: memref<384x512xf32, #tpu.memory_space<vmem>>, %arg3: memref<1x512xf32, #tpu.memory_space<vmem>>, %arg4: memref<512x512xf32, #tpu.memory_space<vmem>>, %arg5: memref<1x512xf32, #tpu.memory_space<vmem>>, %arg6: memref<512x128xf32, #tpu.memory_space<vmem>>, %arg7: memref<1x128xf32, #tpu.memory_space<vmem>>, %arg8: memref<1000x128xf32, #tpu.memory_space<vmem>>) attributes {dimension_semantics = [#tpu.dimension_semantics<arbitrary>], iteration_bounds = array<i64: 10>, scalar_prefetch = 0 : i64, scratch_operands = 0 : i64, tpu.core_type = #tpu.core_type<tc>, window_params = [{transform_indices = @transform_0, window_bounds = array<i64: 1000, 384>}, {pipeline_mode = #tpu.pipeline_mode<synchronous>, transform_indices = @transform_1, window_bounds = array<i64: 384, 512>}, {pipeline_mode = #tpu.pipeline_mode<synchronous>, transform_indices = @transform_2, window_bounds = array<i64: 1, 512>}, {pipeline_mode = #tpu.pipeline_mode<synchronous>, transform_indices = @transform_3, window_bounds = array<i64: 512, 512>}, {pipeline_mode = #tpu.pipeline_mode<synchronous>, transform_indices = @transform_4, window_bounds = array<i64: 1, 512>}, {pipeline_mode = #tpu.pipeline_mode<synchronous>, transform_indices = @transform_5, window_bounds = array<i64: 512, 128>}, {pipeline_mode = #tpu.pipeline_mode<synchronous>, transform_indices = @transform_6, window_bounds = array<i64: 1, 128>}, {transform_indices = @transform_7, window_bounds = array<i64: 1000, 128>}]} {
    %get3A = arith.constant 0 : index
    %get3A_0 = arith.constant 0 : index
    %get3A_1 = vector.load %arg1[%get3A, %get3A_0] : memref<1000x384xf32, #tpu.memory_space<vmem>>, vector<1000x384xf32>
    %get3A_2 = arith.constant 0 : index
    %get3A_3 = arith.constant 0 : index
    %get3A_4 = vector.load %arg2[%get3A_2, %get3A_3] : memref<384x512xf32, #tpu.memory_space<vmem>>, vector<384x512xf32>
    %dot_general3A = arith.constant dense<0.000000e+00> : vector<1000x512xf32>
    %dot_general3A_5 = tpu.matmul %get3A_1, %get3A_4, %dot_general3A {dimension_numbers = #tpu.dot_dimension_numbers<[1], [0], [0], [1], [0, 0, 1, 1], [], []>, transpose_lhs_hint = false} : vector<1000x384xf32>, vector<384x512xf32>, vector<1000x512xf32> -> vector<1000x512xf32>
    %mul3A = arith.constant 0.0527046286 : f32
    %mul3A_6 = vector.broadcast %mul3A : f32 to vector<1000x512xf32>
    %mul3A_7 = arith.mulf %dot_general3A_5, %mul3A_6 : vector<1000x512xf32>
    %get3A_8 = arith.constant 0 : index
    %get3A_9 = arith.constant 0 : index
    %get3A_10 = vector.load %arg3[%get3A_8, %get3A_9] : memref<1x512xf32, #tpu.memory_space<vmem>>, vector<1x512xf32>
    %mul3A_11 = arith.constant 1.000000e-01 : f32
    %mul3A_12 = vector.broadcast %mul3A_11 : f32 to vector<1x512xf32>
    %mul3A_13 = arith.mulf %mul3A_12, %get3A_10 : vector<1x512xf32>
    %add3A = vector.broadcast %mul3A_13 : vector<1x512xf32> to vector<1000x512xf32>
    %add3A_14 = arith.addf %mul3A_7, %add3A : vector<1000x512xf32>
    %logistic3A = arith.negf %add3A_14 : vector<1000x512xf32>
    %logistic3A_15 = math.exp %logistic3A : vector<1000x512xf32>
    %logistic3A_16 = arith.constant 1.000000e+00 : f32
    %logistic3A_17 = vector.broadcast %logistic3A_16 : f32 to vector<1000x512xf32>
    %logistic3A_18 = arith.addf %logistic3A_17, %logistic3A_15 : vector<1000x512xf32>
    %logistic3A_19 = arith.divf %logistic3A_17, %logistic3A_18 : vector<1000x512xf32>
    %mul3A_20 = arith.mulf %add3A_14, %logistic3A_19 : vector<1000x512xf32>
    %get3A_21 = arith.constant 0 : index
    %get3A_22 = arith.constant 0 : index
    %get3A_23 = vector.load %arg4[%get3A_21, %get3A_22] : memref<512x512xf32, #tpu.memory_space<vmem>>, vector<512x512xf32>
    %dot_general3A_24 = arith.constant dense<0.000000e+00> : vector<1000x512xf32>
    %dot_general3A_25 = tpu.matmul %mul3A_20, %get3A_23, %dot_general3A_24 {dimension_numbers = #tpu.dot_dimension_numbers<[1], [0], [0], [1], [0, 0, 1, 1], [], []>, transpose_lhs_hint = false} : vector<1000x512xf32>, vector<512x512xf32>, vector<1000x512xf32> -> vector<1000x512xf32>
    %mul3A_26 = arith.constant 0.0441941731 : f32
    %mul3A_27 = vector.broadcast %mul3A_26 : f32 to vector<1000x512xf32>
    %mul3A_28 = arith.mulf %dot_general3A_25, %mul3A_27 : vector<1000x512xf32>
    %get3A_29 = arith.constant 0 : index
    %get3A_30 = arith.constant 0 : index
    %get3A_31 = vector.load %arg5[%get3A_29, %get3A_30] : memref<1x512xf32, #tpu.memory_space<vmem>>, vector<1x512xf32>
    %mul3A_32 = arith.constant 1.000000e-01 : f32
    %mul3A_33 = vector.broadcast %mul3A_32 : f32 to vector<1x512xf32>
    %mul3A_34 = arith.mulf %mul3A_33, %get3A_31 : vector<1x512xf32>
    %add3A_35 = vector.broadcast %mul3A_34 : vector<1x512xf32> to vector<1000x512xf32>
    %add3A_36 = arith.addf %mul3A_28, %add3A_35 : vector<1000x512xf32>
    %logistic3A_37 = arith.negf %add3A_36 : vector<1000x512xf32>
    %logistic3A_38 = math.exp %logistic3A_37 : vector<1000x512xf32>
    %logistic3A_39 = arith.constant 1.000000e+00 : f32
    %logistic3A_40 = vector.broadcast %logistic3A_39 : f32 to vector<1000x512xf32>
    %logistic3A_41 = arith.addf %logistic3A_40, %logistic3A_38 : vector<1000x512xf32>
    %logistic3A_42 = arith.divf %logistic3A_40, %logistic3A_41 : vector<1000x512xf32>
    %mul3A_43 = arith.mulf %add3A_36, %logistic3A_42 : vector<1000x512xf32>
    %get3A_44 = arith.constant 0 : index
    %get3A_45 = arith.constant 0 : index
    %get3A_46 = vector.load %arg6[%get3A_44, %get3A_45] : memref<512x128xf32, #tpu.memory_space<vmem>>, vector<512x128xf32>
    %dot_general3A_47 = arith.constant dense<0.000000e+00> : vector<1000x128xf32>
    %dot_general3A_48 = tpu.matmul %mul3A_43, %get3A_46, %dot_general3A_47 {dimension_numbers = #tpu.dot_dimension_numbers<[1], [0], [0], [1], [0, 0, 1, 1], [], []>, transpose_lhs_hint = false} : vector<1000x512xf32>, vector<512x128xf32>, vector<1000x128xf32> -> vector<1000x128xf32>
    %mul3A_49 = arith.constant 0.0441941731 : f32
    %mul3A_50 = vector.broadcast %mul3A_49 : f32 to vector<1000x128xf32>
    %mul3A_51 = arith.mulf %dot_general3A_48, %mul3A_50 : vector<1000x128xf32>
    %get3A_52 = arith.constant 0 : index
    %get3A_53 = arith.constant 0 : index
    %get3A_54 = vector.load %arg7[%get3A_52, %get3A_53] : memref<1x128xf32, #tpu.memory_space<vmem>>, vector<1x128xf32>
    %mul3A_55 = arith.constant 1.000000e-01 : f32
    %mul3A_56 = vector.broadcast %mul3A_55 : f32 to vector<1x128xf32>
    %mul3A_57 = arith.mulf %mul3A_56, %get3A_54 : vector<1x128xf32>
    %add3A_58 = vector.broadcast %mul3A_57 : vector<1x128xf32> to vector<1000x128xf32>
    %add3A_59 = arith.addf %mul3A_51, %add3A_58 : vector<1000x128xf32>
    %swap3A = arith.constant 0 : index
    %swap3A_60 = arith.constant 0 : index
    %swap3A_61 = vector.load %arg8[%swap3A, %swap3A_60] : memref<1000x128xf32, #tpu.memory_space<vmem>>, vector<1000x128xf32>
    tpu.vector_store %arg8[%swap3A, %swap3A_60], %add3A_59 {strides = array<i32>} : memref<1000x128xf32, #tpu.memory_space<vmem>>, vector<1000x128xf32>,
    return
  }
  func.func @transform_0(%arg0: i32) -> (i32, i32) {
    %c0_i32 = arith.constant 0 : i32
    %c0_i32_0 = arith.constant 0 : i32
    return %arg0, %c0_i32 : i32, i32
  }
  func.func @transform_1(%arg0: i32) -> (i32, i32) {
    %c0_i32 = arith.constant 0 : i32
    %c0_i32_0 = arith.constant 0 : i32
    %c0_i32_1 = arith.constant 0 : i32
    return %c0_i32, %c0_i32_0 : i32, i32
  }
  func.func @transform_2(%arg0: i32) -> (i32, i32) {
    %c0_i32 = arith.constant 0 : i32
    %c0_i32_0 = arith.constant 0 : i32
    %c0_i32_1 = arith.constant 0 : i32
    return %c0_i32, %c0_i32_0 : i32, i32
  }
  func.func @transform_3(%arg0: i32) -> (i32, i32) {
    %c0_i32 = arith.constant 0 : i32
    %c0_i32_0 = arith.constant 0 : i32
    %c0_i32_1 = arith.constant 0 : i32
    return %c0_i32, %c0_i32_0 : i32, i32
  }
  func.func @transform_4(%arg0: i32) -> (i32, i32) {
    %c0_i32 = arith.constant 0 : i32
    %c0_i32_0 = arith.constant 0 : i32
    %c0_i32_1 = arith.constant 0 : i32
    return %c0_i32, %c0_i32_0 : i32, i32
  }
  func.func @transform_5(%arg0: i32) -> (i32, i32) {
    %c0_i32 = arith.constant 0 : i32
    %c0_i32_0 = arith.constant 0 : i32
    %c0_i32_1 = arith.constant 0 : i32
    return %c0_i32, %c0_i32_0 : i32, i32
  }
  func.func @transform_6(%arg0: i32) -> (i32, i32) {
    %c0_i32 = arith.constant 0 : i32
    %c0_i32_0 = arith.constant 0 : i32
    %c0_i32_1 = arith.constant 0 : i32
    return %c0_i32, %c0_i32_0 : i32, i32
  }
  func.func @transform_7(%arg0: i32) -> (i32, i32) {
    %c0_i32 = arith.constant 0 : i32
    %c0_i32_0 = arith.constant 0 : i32
    return %arg0, %c0_i32 : i32, i32
  }
}

</mosaic_0001>

<sc_bundles>
// kernel: sparse-core-data-format-call.cloned.1.call-start
scs
called_computation_lowered:
.L_overlay_start_0:
0x0: {  	s1 =	sld [smem:$0x3FD9]  }
0x1: {  	s2 =	sld [smem:$0x3FFE];
	_ =	sdelay $0x1  }
0x2: {  	s3 =	srdreg.scid  }
0x3: {  	s0 =	sand.u32 $0x1, s3  }
0x4: {  	s17 =	sshll.u32 s0, $0xA;
	s1 =	sadd.s32 s2, s1  }
0x5: {  	s1 =	sadd.s32 s1, s17  }
0x6: {  	[smem:$0x3FBC] =	sst s1  }
0x7: {  	_ = 	snop  }
0x8: {  	(tm) =	ssettm $0x1  }
0x9: {  	s18 =	sld [smem:$0x3FFB];
	_ =	sdelay $0x3  }
0xa: {  	_ =	strace s18  }
0xb: {  	s1 =	sld [smem:$0x3FFC];
	_ =	sdelay $0x3  }
0xc: {  	_ =	strace s1  }
0xd: {  	s1 =	sld [smem:$0x3FFD];
	_ =	sdelay $0x3  }
0xe: {  	_ =	strace s1  }
0xf: {  	_ =	strace $0x8FFFFFFF  }
0x10: {  	s19 =	sld [smem:$0x3FDB];
	_ =	sdelay $0x1  }
0x11: {  	s20 =	simm.s32 $_scs_section_size  }
0x12: {  	s4 =	simm.s32 $_size__tile_overlayer_lowered;
	s5 =	simm.s32 $_tile_overlayer_lowered  }
0x13: {  	s23 =	simm.s32 $0x1BFF;
	s22 =	sshll.u32 s5, $0x1;
	s1 =	sadd.s32 s20, s19  }
0x14: {  	s6 =	simm.s32 $0x0;
	s21 =	sshll.u32 s4, $0x1;
	s4 =	sadd.s32 s22, s1  }
0x15: {  	[timem:s6], [sflag:s23] =	dma.local [hbm:s4], s21  }
0x16: {  	_ =	swait.ge [sflag:s23], s21  }
0x17: {  	s2 =	ssub.s32 $0x0, s21;
	[sflag:s23] =	ssyncset.done $0x0  }
0x18: {  	[sflag:s23] =	ssyncadd.s32 s2;
	_ =	sdelay $0x1  }
0x19: {  	s24 =	simm.s32 $0x1B8B  }
0x1a: {  	_ =	swait.ge [sflag:s24], $0x1  }
0x1b: {  	[sflag:s24] =	ssyncset.done $0x0  }
0x1c: {  	s26 =	simm.s32 $0x1B8E;
	s25 =	sld [smem:$0x3FFE];
	[sflag:s24] =	ssyncadd.s32 $0xFFFFFFFF  }
0x1d: {  	s27 =	simm.s32 $execute0_lowered;
	[smem:$0x3FD2] =	sst s26  }
0x1e: {  	s4 =	sshll.u32 s27, $0x1;
	_ =	strace $0x80000046;
	[dreg:$0x1] =	wrdreg $0xFFFFFFFF  }
0x1f: {  	s28 =	simm.s32 $_size_execute0_lowered;
	s1 =	sadd.s32 s1, s4;
	[dreg:$0x0] =	wrdreg $0x0  }
0x20: {  	s4 =	sshll.u32 s28, $0x1;
	[dreg:$0x2] =	wrdreg s1  }
0x21: {  	[dreg:$0x3] =	wrdreg s4  }
0x22: {  	[dreg:$0x4] =	wrdreg $0xC0  }
0x23: {  	_ =	task [dreg:s6], $0x5FFFF  }
0x24: {  	[dreg:$0x1] =	wrdreg $0xFFFFFFFF  }
0x25: {  	[dreg:$0x0] =	wrdreg $0x60  }
0x26: {  	[dreg:$0x2] =	wrdreg s25  }
0x27: {  	[dreg:$0x3] =	wrdreg $0x9  }
0x28: {  	_ =	task.clear_ibuf [dreg:s6], $0x4FFFF;
	_ =	strace $0x90000046  }
0x29: {  	s29 =	simm.s32 $0x9;
	_ =	strace $0x80000048  }
0x2a: {  	_ =	swait.ge [sflag:s29], $0x1  }
0x2b: {  	[sflag:s29] =	ssyncadd.s32 $0xFFFFFFFF  }
0x2c: {  	_ =	strace $0x90000048  }
0x2d: {  	_ =	sfence  }
0x2e: {  	s30 =	sld [smem:$0x0];
	_ =	sdelay $0x2  }
0x2f: {  	s31 =	sshll.u32 s3, $0xD;
	s3 =	sshrl.u32 s3, $0x2  }
0x30: {  	s2 =	sand.u32 $0x4000, s31;
	s1 =	sadd.s32 s3, s30  }
0x31: {  	s0 =	sor.u32 s2, s0;
	s1 =	sshll.u32 s1, $0x11  }
0x32: {  	s0 =	sor.u32 s1, s0  }
0x33: {  	s0 =	sadd.s32 $0x8F2B, s0  }
0x34: {  	[sflag:s0] =	ssyncadd.remote.s32 $0x1  }
0x35: {  	_ =	sfence.sel $0xFFFF  }
0x36: {  	[dreg:$0x0] =	wrdreg $0xFFFFFFFF;
	(pc) =	sbr.abs _section_cstart, $3  }
0x37: {  	[dreg:$0x1] =	wrdreg $0xFFFFFFFF  }
0x38: {  	_ =	task.clear_ibuf [dreg:s6], $0x2FFFF;
	_ =	strace $0x9FFFFFFF  }
0x39: {  	(tm) =	ssettm $0x7FFFFFFF  }
tec
execute0_lowered:
.L_overlay_start_1:
0x0: {  	(tag) =	ssettag $0x1  }
0x1: {  	s0 =	srdreg.scid  }
0x2: {  	s1 =	sshll.u32 s0, $0x4  }
0x3: {  	s0 =	stileid.u32;
	s1 =	sand.u32 $0x10, s1  }
0x4: {  	s1 =	sor.u32 s0, s1  }
0x5: {  	s6 =	rddreg [dreg:$0x0];
	s2 =	sshll.u32 s1, $0x7  }
0x6: {  	s4 =	simm.s32 $0x1;
	s7 =	simm.s32 $0x2;
	s3 =	ssub.s32 $0x4E200, s2  }
0x7: {  	s11 =	simm.s32 $0x0;
	s12 =	simm.s32 $0x0;
	s31 =	sand.u32 $0xF80, s3  }
0x8: {  	s8 =	simm.s32 $0x0;
	s1 =	rddreg [dreg:$0x1];
	p0 =	sne.s32 s31, $0x0  }
.Ltmp0:
0x9: {  	s5 =	sshrl.u32 s3, $0xC;
	s4 =	simm.s32 @!p0 $0x0;
	(pc) =	sbr.rel .LBB1_1-.Ltmp0, $4  }
0xa: {  	_ =	strace $0x80000047;
	s3 =	simm.s32 $0x1;
	s4 =	sadd.s32 s4, s5  }
0xb: {  	s10 =	simm.s32 $0x0;
	[sflag:s3] =	ssyncpa.u1 $0x0;
	s4 =	smul.u32 $0x5, s4  }
0xc: {  	s9 =	smov.u32 s2;
	[sflag:s7] =	ssyncpa.u1 $0x0;
	p0 =	por $0x0, $0x0  }
0xd: {  	s5 =	sadd.s32 $0x1DF200, s6;
	s6 =	sadd.s32 $0x1AA00, s6;
	s7 =	sadd.s32 $0x1, s4  }
.LBB1_4:
0xe: {  	s15 =	sshll.u32 s12, $0x3  }
0xf: {  	s30 =	sand.u32 $0x7F, s12;
	s15 =	sand.u32 $0xFFFFFC00, s15  }
0x10: {  	s12 =	sor.u32 s30, s15;
	s15 =	smulhi.u32 $0xD1B71759, s15  }
0x11: {  	s16 =	smulhi.u32 $0xD1B71759, s12;
	_ =	sdelay $0x1  }
0x12: {  	s11 =	smul.u32 $0x4E200, s11;
	s15 =	sshrl.u32 s15, $0x12;
	s16 =	sshrl.u32 s16, $0x12  }
0x13: {  	s15 =	sand.u32 $0x7, s15;
	s16 =	smul.u32 $0x4E200, s16  }
0x14: {  	s15 =	smul.u32 $0x9C40, s15  }
0x15: {  	s11 =	sadd.s32 s6, s11;
	s12 =	ssub.s32 s12, s16  }
0x16: {  	s11 =	sadd.s32 s15, s11;
	s31 =	sshrl.u32 s12, $0x3  }
0x17: {  	[tilespmem:s14+$0x0 ss:$0x81] =	vst.msk $0xff, v0;
	s12 =	sand.u32 $0x7, s12;
	s11 =	sadd.s32 s31, s11  }
0x18: {  	[hbm4b:s11+s12] =	stream.linear.scatter [tilespmem:s13], [sflag:$0x2], $0x400, $0x20;
	[tilespmem:$0x1010] =	vst v63  }
.LBB1_5:
0x19: {  	s13 =	sadd.s32 $0x1, s8  }
0x1a: {  	s11 =	sadd.s32 $0x1000, s9;
	s15 =	smov.u32 s9;
	p2 =	sgt.s32 s13, $0x4  }
0x1b: {  	s15 =	smov.u32 @p2 s11  }
0x1c: {  	s13 =	simm.s32 @p2 $0x0;
	p2 =	sgt.s32 s15, $0x4E1FF  }
0x1d: {  	s15 =	smov.u32 @p2 s2;
	p2 =	sne.s32 s10, s7  }
.Ltmp1:
0x1e: {  	p1 =	slt.u32 s10, $0x2;
	(pc) =	sbr.rel @!p2 .LBB1_6-.Ltmp1, $4  }
0x1f: {  	s14 =	simm.s32 @!p1 $0x2  }
0x20: {  	s12 =	smov.u32 s9;
	p0 =	por !p0, !p0;
	_ =	swait.ge @!p1 [sflag:s14], $0x400  }
0x21: {  	s11 =	smov.u32 s8;
	[sflag:s14] =	ssyncset.done @!p1 $0x0;
	s8 =	smov.u32 s13  }
0x22: {  	s10 =	sadd.s32 $0x1, s10;
	[sflag:s14] =	ssyncadd.s32 @!p1 $0xFFFFFC00;
	s9 =	smov.u32 s15  }
.LBB1_1:
0x23: {  	p1 =	sge.u32 s10, s4  }
0x24: {  	s31 =	sadd.s32 $0xFFFFFFFF, s10;
	s13 =	sxor.u32 @!p1 $0xFFFFFFFF, s10  }
0x25: {  	s14 =	sshll.u32 @!p1 s9, $0x7;
	s15 =	sshll.u32 @!p1 s8, $0x4;
	s16 =	simm.s32 @!p1 $0x400  }
0x26: {  	s13 =	sshll.u32 @!p1 s13, $0xA;
	s15 =	sand.u32 @!p1 $0x70, s15;
	s14 =	sadd.s32 @!p1 s5, s14  }
0x27: {  	s13 =	sand.u32 @!p1 $0x400, s13;
	s14 =	sadd.s32 @!p1 s15, s14;
	s15 =	simm.s32 @!p1 $0x8  }
0x28: {  	[tilespmem:s13], [sflag:$0x1] =	stream.strided.gather @!p1 [hbm4b:s14+s15], $0x400, s16, s15, $0x38;
	[tilespmem:$0x1010] =	vst v63  }
0x29: {  	p1 =	sge.u32 s31, s4  }
.Ltmp2:
0x2a: {  	_ = 	snop;
	(pc) =	sbr.rel @p1 .LBB1_5-.Ltmp2, $1  }
0x2b: {  	_ =	sdelay $0x3  }
0x2c: {  	s13 =	simm.s32 $0x1  }
0x2d: {  	s13 =	simm.s32 @!p0 $0x0  }
0x2e: {  	s14 =	sshll.u32 s13, $0xA  }
0x2f: {  	v1 =	vmov s14;
	_ =	sdelay $0x1  }
0x30: {  	_ =	swait.ge [sflag:s3], $0x400  }
0x31: {  	s31 =	sand.u32 $0x1, s10;
	[sflag:s3] =	ssyncset.done $0x0  }
0x32: {  	s16 =	simm.s32 $0x0;
	s13 =	smul.u32 $0x1020, s13;
	[sflag:s3] =	ssyncadd.s32 $0xFFFFFC00  }
0x33: {  	s14 =	smul.u32 $0x1020, s31;
	v0 =	vld.idx.msk [tilespmem:v1+s16+$0x0 ss:$0x1], $0xff;
	_ =	sdelay $0x1  }
0x34: {  	s13 =	sshrl.u32 s13, $0x2;
	s15 =	sshrl.u32 s14, $0x2  }
0x35: {  	s14 =	sor.u32 $0x800, s13;
	s13 =	sor.u32 $0x800, s15;
	s15 =	simm.s32 $0x20  }
.LBB1_3:
0x36: {  	s16 =	sshra.s32 s15, $0x2;
	p1 =	sne.s32 s15, $0xFE0;
	s15 =	sadd.s32 $0x20, s15  }
.Ltmp3:
0x37: {  	[tilespmem:s14+$0x0 ss:$0x81] =	vst.msk $0xff, v0;
	v0 =	vld.idx.msk [tilespmem:v1+s16+$0x0 ss:$0x1], $0xff;
	(pc) =	sbr.rel @p1 .LBB1_3-.Ltmp3, $2  }
0x38: {  	_ =	sdelay $0x2  }
0x39: {  	s14 =	sadd.s32 $0x1, s14  }
.Ltmp4:
0x3a: {  	_ = 	snop;
	(pc) =	sbr.rel .LBB1_4-.Ltmp4, $1  }
0x3b: {  	_ =	sdelay $0x3  }
.LBB1_6:
0x3c: {  	_ =	sfence.sel $0x180000  }
0x3d: {  	s2 =	simm.s32 $0x1;
	[bflag:$0x0] =	sbarrier.arrive $0xFFFF  }
0x3e: {  	s31 =	simm.s32 $0x2;
	[sflag:s2] =	ssyncpa.u1 $0x1  }
0x3f: {  	[sflag:s31] =	ssyncpa.u1 $0x1  }
0x40: {  	p0 =	sne.s32 s0, $0x0;
	_ =	strace $0x90000047  }
0x41: {  	s0 =	sadd.s32 @!p0 $0x100000, s1;
	[bflag:$0x2] =	sbarrier.arrive $0xFFFF  }
0x42: {  	[sflag:s0] =	ssyncadd.tile.s32 @!p0 $0x1;
	_ =	shalt  }
.Lfunc_end1:
_tile_overlayer_lowered:
.L_overlay_start_2:
0x43: {  	(tag) =	ssettag $0x2  }
0x44: {  	s0 =	rddreg [dreg:$0x0];
	s2 =	stileid.u32  }
0x45: {  	s1 =	rddreg [dreg:$0x1];
	p0 =	sne.s32 s2, $0x0  }
0x46: {  	s3 =	rddreg [dreg:$0x2];
	[bflag:$0x3] =	sbarrier.arrive $0xFFFF;
	s2 =	simm.s32 @!p0 $0x1C01  }
0x47: {  	[timem:s3], [sflag:s2] =	dma.local @!p0 [hbm:s0], s1  }
0x48: {  	s0 =	simm.s32 @!p0 $0x1  }
0x49: {  	_ =	swait.ge @!p0 [sflag:s0], s1  }
0x4a: {  	s1 =	ssub.s32 @!p0 $0x0, s1;
	[sflag:s0] =	ssyncset.done @!p0 $0x0  }
0x4b: {  	[sflag:s0] =	ssyncadd.s32 @!p0 s1  }
0x4c: {  	[bflag:$0x3] =	sbarrier.arrive $0xFFFF  }
0x4d: {  	_ =	shalt  }

</sc_bundles>
